<compile_context>
chip_gen: v7x
topology: tpu7x:2x2x1
jax: 0.10.2.dev20260603
libtpu: 0.0.44.dev20260713+nightly
codegen_flags: <defaults>
</compile_context>

<pallas_src>
import functools

import jax
import jax.numpy as jnp
from jax import lax
from jax.experimental import pallas as pl
from jax.experimental.pallas import tpu as pltpu
from jax.experimental.pallas import tpu_sc as plsc

_D = 1024
_MAX_LEN = 32768
_SEQ = 8192
_NC = 2
_NS = 16
_NW = _NC * _NS
_B_PER_W = _SEQ // _NW
_C = 16
_NCHUNK = _B_PER_W // _C
_NBUF = 6
_G_AHEAD = 4
_S_OUT = _NBUF - _G_AHEAD

_mesh = plsc.VectorSubcoreMesh(core_axis_name="c", subcore_axis_name="s")


@functools.partial(
    pl.kernel,
    mesh=_mesh,
    out_type=jax.ShapeDtypeStruct((_SEQ, _D), jnp.float32),
    scratch_types=(
        [pltpu.VMEM((_B_PER_W,), jnp.int32),
         pltpu.VMEM((_NBUF, _C, _D), jnp.float32)]
        + [pltpu.SemaphoreType.DMA] * (2 * _NBUF)
    ),
)
def _gather(table_hbm, idx_hbm, out_hbm, idx_v, bufs, *sems):
    cid = lax.axis_index("c")
    sid = lax.axis_index("s")
    wid = sid * _NC + cid
    base = wid * _B_PER_W
    gsem = sems[:_NBUF]
    ssem = sems[_NBUF:]
    pltpu.sync_copy(idx_hbm.at[pl.ds(base, _B_PER_W)], idx_v)

    def start_gather(c):
        b = c % _NBUF
        return pltpu.async_copy(
            table_hbm.at[idx_v.at[pl.ds(c * _C, _C)]], bufs.at[b], gsem[b]
        )

    def start_store(c):
        b = c % _NBUF
        return pltpu.async_copy(
            bufs.at[b], out_hbm.at[pl.ds(base + c * _C, _C)], ssem[b]
        )

    gathers = [None] * _NCHUNK
    stores = [None] * _NCHUNK
    for c in range(_G_AHEAD):
        gathers[c] = start_gather(c)
    for c in range(_NCHUNK):
        if c >= _S_OUT:
            stores[c - _S_OUT].wait()
        if c + _G_AHEAD < _NCHUNK:
            gathers[c + _G_AHEAD] = start_gather(c + _G_AHEAD)
        gathers[c].wait()
        stores[c] = start_store(c)
    for c in range(_NCHUNK - _S_OUT, _NCHUNK):
        stores[c].wait()


def kernel(position_ids, PosEnc):
    table = PosEnc.reshape(_MAX_LEN, _D)
    idx = position_ids.astype(jnp.int32)
    out = _gather(table, idx)
    return out.reshape(1, _SEQ, _D)

# --- scband reference (transcript-rebuilt; emitter-appended) ---
"""Pipeline reference for scband-trigono-abs-pos-enc-19945828122819 (READ-ONLY COPY).

The authoritative reference and input builder live on the scoring server;
editing this copy changes nothing except your own understanding.
"""

import jax, jax.numpy as jnp
import numpy as np

NUM_HIDDENS = 1024
MAX_LEN = 32768
SEQ = 8192


def _make_posenc():
    X = np.arange(MAX_LEN, dtype=np.float32).reshape(-1, 1) / np.power(
        10000.0,
        np.arange(0, NUM_HIDDENS, 2, dtype=np.float32).reshape(1, -1) / NUM_HIDDENS,
    )
    P = np.zeros((1, MAX_LEN, NUM_HIDDENS), dtype=np.float32)
    P[0, :, 0::2] = np.sin(X)
    P[0, :, 1::2] = np.cos(X)
    return jnp.asarray(P)


def setup_inputs(seed: int = 0) -> dict:
    key = jax.random.key(seed)
    position_ids = jax.random.randint(key, (SEQ,), 0, MAX_LEN)
    PosEnc = _make_posenc()
    return {"position_ids": position_ids, "PosEnc": PosEnc}


def reference(position_ids, PosEnc):
    # Faithful translation: gather rows of the precomputed sinusoidal table.
    # PosEnc: (1, max_len, num_hiddens); output: (1, len(position_ids), num_hiddens)
    return PosEnc[:, position_ids, :]

if __name__ == "__main__":
    import jax
    _d = setup_inputs()
    print(jax.jit(kernel)(*tuple(_d.values())))

</pallas_src>

<mosaic_0001>
#map = affine_map<(d0, d1) -> (0, 0)>
#map1 = affine_map<(d0, d1) -> (0)>
module attributes {stable_mosaic.version = 14 : i64} {
  func.func @_gather(%arg0: i32, %arg1: i32, %arg2: memref<32768x1024xf32, #tpu.memory_space<hbm>>, %arg3: memref<8192xi32, #tpu.memory_space<hbm>>, %arg4: memref<8192x1024xf32, #tpu.memory_space<hbm>>, %arg5: memref<256xi32, #tpu.memory_space<vmem>>, %arg6: memref<6x16x1024xf32, #tpu.memory_space<vmem>>, %arg7: memref<!tpu.dma_semaphore, #tpu.memory_space<semaphore_mem>>, %arg8: memref<!tpu.dma_semaphore, #tpu.memory_space<semaphore_mem>>, %arg9: memref<!tpu.dma_semaphore, #tpu.memory_space<semaphore_mem>>, %arg10: memref<!tpu.dma_semaphore, #tpu.memory_space<semaphore_mem>>, %arg11: memref<!tpu.dma_semaphore, #tpu.memory_space<semaphore_mem>>, %arg12: memref<!tpu.dma_semaphore, #tpu.memory_space<semaphore_mem>>, %arg13: memref<!tpu.dma_semaphore, #tpu.memory_space<semaphore_mem>>, %arg14: memref<!tpu.dma_semaphore, #tpu.memory_space<semaphore_mem>>, %arg15: memref<!tpu.dma_semaphore, #tpu.memory_space<semaphore_mem>>, %arg16: memref<!tpu.dma_semaphore, #tpu.memory_space<semaphore_mem>>, %arg17: memref<!tpu.dma_semaphore, #tpu.memory_space<semaphore_mem>>, %arg18: memref<!tpu.dma_semaphore, #tpu.memory_space<semaphore_mem>>) attributes {dimension_semantics = [#tpu.dimension_semantics<core_parallel>, #tpu.dimension_semantics<subcore_parallel>], iteration_bounds = array<i64: 2, 16>, scalar_prefetch = 0 : i64, scratch_operands = 14 : i64, tpu.core_type = #tpu.core_type<sc_vector_subcore>, window_params = [{transform_indices = #map}, {transform_indices = #map1}, {transform_indices = #map}]} {
    %mul3A = arith.constant 2 : i32
    %mul3A_0 = arith.muli %arg1, %mul3A : i32
    %add3A = arith.addi %mul3A_0, %arg0 : i32
    %mul3A_1 = arith.constant 256 : i32
    %mul3A_2 = arith.muli %add3A, %mul3A_1 : i32
    "tpu.region"() ({
      %run_scoped3A = tpu.sem_alloc : memref<!tpu.dma_semaphore, #tpu.memory_space<semaphore_mem>>
      %dma_start3A_769 = tpu.memref_slice %arg3[%mul3A_2] : memref<8192xi32, #tpu.memory_space<hbm>> -> memref<256xi32, #tpu.memory_space<hbm>>
      %dma_start3A_770 = tpu.memref_slice %arg3[%mul3A_2] : memref<8192xi32, #tpu.memory_space<hbm>> -> memref<256xi32, #tpu.memory_space<hbm>>
      tpu.enqueue_dma source(%dma_start3A_770 : memref<256xi32, #tpu.memory_space<hbm>>) target(%arg5 : memref<256xi32, #tpu.memory_space<vmem>>) target_semaphore(%run_scoped3A : memref<!tpu.dma_semaphore, #tpu.memory_space<semaphore_mem>>)
      %dma_wait3A_771 = tpu.memref_slice %arg3[%mul3A_2] : memref<8192xi32, #tpu.memory_space<hbm>> -> memref<256xi32, #tpu.memory_space<hbm>>
      %dma_wait3A_772 = tpu.memref_slice %arg3[%mul3A_2] : memref<8192xi32, #tpu.memory_space<hbm>> -> memref<256xi32, #tpu.memory_space<hbm>>
      tpu.wait_dma2 semaphore(%run_scoped3A : memref<!tpu.dma_semaphore, #tpu.memory_space<semaphore_mem>>) src(%dma_wait3A_772 : memref<256xi32, #tpu.memory_space<hbm>>) dst(%arg5 : memref<256xi32, #tpu.memory_space<vmem>>)
      tpu.yield
    }) : () -> ()
    %dma_start3A = arith.constant 0 : i32
    %dma_start3A_3 = arith.constant 0 : i32
    %dma_start3A_4 = arith.constant 0 : i32
    %dma_start3A_5 = tpu.memref_slice %arg6[%dma_start3A, %dma_start3A_3, %dma_start3A_4] : memref<6x16x1024xf32, #tpu.memory_space<vmem>> -> memref<1x16x1024xf32, #tpu.memory_space<vmem>>
    %dma_start3A_6 = tpu.memref_squeeze %dma_start3A_5 : memref<1x16x1024xf32, #tpu.memory_space<vmem>> -> memref<16x1024xf32, #tpu.memory_space<vmem>>
    %dma_start3A_7 = arith.constant 0 : i32
    %dma_start3A_8 = tpu.memref_slice %arg5[%dma_start3A_7] : memref<256xi32, #tpu.memory_space<vmem>> -> memref<16xi32, #tpu.memory_space<vmem>>
    %dma_start3A_9 = arith.constant 0 : i32
    %dma_start3A_10 = arith.constant 0 : i32
    %dma_start3A_11 = tpu.memref_slice %arg2[%dma_start3A_9, %dma_start3A_10] : memref<32768x1024xf32, #tpu.memory_space<hbm>> -> memref<32768x1024xf32, #tpu.memory_space<hbm>>
    tpu.enqueue_indirect_dma source(%dma_start3A_11 : memref<32768x1024xf32, #tpu.memory_space<hbm>>) target(%dma_start3A_6 : memref<16x1024xf32, #tpu.memory_space<vmem>>) offsets(%dma_start3A_8 : memref<16xi32, #tpu.memory_space<vmem>>) semaphore(%arg7 : memref<!tpu.dma_semaphore, #tpu.memory_space<semaphore_mem>>)
    %dma_start3A_12 = arith.constant 1 : i32
    %dma_start3A_13 = arith.constant 0 : i32
    %dma_start3A_14 = arith.constant 0 : i32
    %dma_start3A_15 = tpu.memref_slice %arg6[%dma_start3A_12, %dma_start3A_13, %dma_start3A_14] : memref<6x16x1024xf32, #tpu.memory_space<vmem>> -> memref<1x16x1024xf32, #tpu.memory_space<vmem>>
    %dma_start3A_16 = tpu.memref_squeeze %dma_start3A_15 : memref<1x16x1024xf32, #tpu.memory_space<vmem>> -> memref<16x1024xf32, #tpu.memory_space<vmem>>
    %dma_start3A_17 = arith.constant 16 : i32
    %dma_start3A_18 = tpu.memref_slice %arg5[%dma_start3A_17] : memref<256xi32, #tpu.memory_space<vmem>> -> memref<16xi32, #tpu.memory_space<vmem>>
    %dma_start3A_19 = arith.constant 0 : i32
    %dma_start3A_20 = arith.constant 0 : i32
    %dma_start3A_21 = tpu.memref_slice %arg2[%dma_start3A_19, %dma_start3A_20] : memref<32768x1024xf32, #tpu.memory_space<hbm>> -> memref<32768x1024xf32, #tpu.memory_space<hbm>>
    tpu.enqueue_indirect_dma source(%dma_start3A_21 : memref<32768x1024xf32, #tpu.memory_space<hbm>>) target(%dma_start3A_16 : memref<16x1024xf32, #tpu.memory_space<vmem>>) offsets(%dma_start3A_18 : memref<16xi32, #tpu.memory_space<vmem>>) semaphore(%arg8 : memref<!tpu.dma_semaphore, #tpu.memory_space<semaphore_mem>>)
    %dma_start3A_22 = arith.constant 2 : i32
    %dma_start3A_23 = arith.constant 0 : i32
    %dma_start3A_24 = arith.constant 0 : i32
    %dma_start3A_25 = tpu.memref_slice %arg6[%dma_start3A_22, %dma_start3A_23, %dma_start3A_24] : memref<6x16x1024xf32, #tpu.memory_space<vmem>> -> memref<1x16x1024xf32, #tpu.memory_space<vmem>>
    %dma_start3A_26 = tpu.memref_squeeze %dma_start3A_25 : memref<1x16x1024xf32, #tpu.memory_space<vmem>> -> memref<16x1024xf32, #tpu.memory_space<vmem>>
    %dma_start3A_27 = arith.constant 32 : i32
    %dma_start3A_28 = tpu.memref_slice %arg5[%dma_start3A_27] : memref<256xi32, #tpu.memory_space<vmem>> -> memref<16xi32, #tpu.memory_space<vmem>>
    %dma_start3A_29 = arith.constant 0 : i32
    %dma_start3A_30 = arith.constant 0 : i32
    %dma_start3A_31 = tpu.memref_slice %arg2[%dma_start3A_29, %dma_start3A_30] : memref<32768x1024xf32, #tpu.memory_space<hbm>> -> memref<32768x1024xf32, #tpu.memory_space<hbm>>
    tpu.enqueue_indirect_dma source(%dma_start3A_31 : memref<32768x1024xf32, #tpu.memory_space<hbm>>) target(%dma_start3A_26 : memref<16x1024xf32, #tpu.memory_space<vmem>>) offsets(%dma_start3A_28 : memref<16xi32, #tpu.memory_space<vmem>>) semaphore(%arg9 : memref<!tpu.dma_semaphore, #tpu.memory_space<semaphore_mem>>)
    %dma_start3A_32 = arith.constant 3 : i32
    %dma_start3A_33 = arith.constant 0 : i32
    %dma_start3A_34 = arith.constant 0 : i32
    %dma_start3A_35 = tpu.memref_slice %arg6[%dma_start3A_32, %dma_start3A_33, %dma_start3A_34] : memref<6x16x1024xf32, #tpu.memory_space<vmem>> -> memref<1x16x1024xf32, #tpu.memory_space<vmem>>
    %dma_start3A_36 = tpu.memref_squeeze %dma_start3A_35 : memref<1x16x1024xf32, #tpu.memory_space<vmem>> -> memref<16x1024xf32, #tpu.memory_space<vmem>>
    %dma_start3A_37 = arith.constant 48 : i32
    %dma_start3A_38 = tpu.memref_slice %arg5[%dma_start3A_37] : memref<256xi32, #tpu.memory_space<vmem>> -> memref<16xi32, #tpu.memory_space<vmem>>
    %dma_start3A_39 = arith.constant 0 : i32
    %dma_start3A_40 = arith.constant 0 : i32
    %dma_start3A_41 = tpu.memref_slice %arg2[%dma_start3A_39, %dma_start3A_40] : memref<32768x1024xf32, #tpu.memory_space<hbm>> -> memref<32768x1024xf32, #tpu.memory_space<hbm>>
    tpu.enqueue_indirect_dma source(%dma_start3A_41 : memref<32768x1024xf32, #tpu.memory_space<hbm>>) target(%dma_start3A_36 : memref<16x1024xf32, #tpu.memory_space<vmem>>) offsets(%dma_start3A_38 : memref<16xi32, #tpu.memory_space<vmem>>) semaphore(%arg10 : memref<!tpu.dma_semaphore, #tpu.memory_space<semaphore_mem>>)
    %dma_start3A_42 = arith.constant 4 : i32
    %dma_start3A_43 = arith.constant 0 : i32
    %dma_start3A_44 = arith.constant 0 : i32
    %dma_start3A_45 = tpu.memref_slice %arg6[%dma_start3A_42, %dma_start3A_43, %dma_start3A_44] : memref<6x16x1024xf32, #tpu.memory_space<vmem>> -> memref<1x16x1024xf32, #tpu.memory_space<vmem>>
    %dma_start3A_46 = tpu.memref_squeeze %dma_start3A_45 : memref<1x16x1024xf32, #tpu.memory_space<vmem>> -> memref<16x1024xf32, #tpu.memory_space<vmem>>
    %dma_start3A_47 = arith.constant 64 : i32
    %dma_start3A_48 = tpu.memref_slice %arg5[%dma_start3A_47] : memref<256xi32, #tpu.memory_space<vmem>> -> memref<16xi32, #tpu.memory_space<vmem>>
    %dma_start3A_49 = arith.constant 0 : i32
    %dma_start3A_50 = arith.constant 0 : i32
    %dma_start3A_51 = tpu.memref_slice %arg2[%dma_start3A_49, %dma_start3A_50] : memref<32768x1024xf32, #tpu.memory_space<hbm>> -> memref<32768x1024xf32, #tpu.memory_space<hbm>>
    tpu.enqueue_indirect_dma source(%dma_start3A_51 : memref<32768x1024xf32, #tpu.memory_space<hbm>>) target(%dma_start3A_46 : memref<16x1024xf32, #tpu.memory_space<vmem>>) offsets(%dma_start3A_48 : memref<16xi32, #tpu.memory_space<vmem>>) semaphore(%arg11 : memref<!tpu.dma_semaphore, #tpu.memory_space<semaphore_mem>>)
    %dma_wait3A = arith.constant 0 : i32
    %dma_wait3A_52 = arith.constant 0 : i32
    %dma_wait3A_53 = arith.constant 0 : i32
    %dma_wait3A_54 = tpu.memref_slice %arg6[%dma_wait3A, %dma_wait3A_52, %dma_wait3A_53] : memref<6x16x1024xf32, #tpu.memory_space<vmem>> -> memref<1x16x1024xf32, #tpu.memory_space<vmem>>
    %dma_wait3A_55 = tpu.memref_squeeze %dma_wait3A_54 : memref<1x16x1024xf32, #tpu.memory_space<vmem>> -> memref<16x1024xf32, #tpu.memory_space<vmem>>
    %dma_wait3A_56 = arith.constant 0 : i32
    %dma_wait3A_57 = tpu.memref_slice %arg5[%dma_wait3A_56] : memref<256xi32, #tpu.memory_space<vmem>> -> memref<16xi32, #tpu.memory_space<vmem>>
    %dma_wait3A_58 = arith.constant 0 : i32
    %dma_wait3A_59 = arith.constant 0 : i32
    %dma_wait3A_60 = tpu.memref_slice %arg2[%dma_wait3A_58, %dma_wait3A_59] : memref<32768x1024xf32, #tpu.memory_space<hbm>> -> memref<32768x1024xf32, #tpu.memory_space<hbm>>
    tpu.wait_indirect_dma semaphore(%arg7 : memref<!tpu.dma_semaphore, #tpu.memory_space<semaphore_mem>>) src(%dma_wait3A_60 : memref<32768x1024xf32, #tpu.memory_space<hbm>>) dst(%dma_wait3A_55 : memref<16x1024xf32, #tpu.memory_space<vmem>>)
    %add3A_61 = arith.constant 0 : i32
    %add3A_62 = arith.addi %mul3A_2, %add3A_61 : i32
    %dma_start3A_63 = arith.constant 0 : i32
    %dma_start3A_64 = arith.constant 0 : i32
    %dma_start3A_65 = arith.constant 0 : i32
    %dma_start3A_66 = tpu.memref_slice %arg6[%dma_start3A_63, %dma_start3A_64, %dma_start3A_65] : memref<6x16x1024xf32, #tpu.memory_space<vmem>> -> memref<1x16x1024xf32, #tpu.memory_space<vmem>>
    %dma_start3A_67 = tpu.memref_squeeze %dma_start3A_66 : memref<1x16x1024xf32, #tpu.memory_space<vmem>> -> memref<16x1024xf32, #tpu.memory_space<vmem>>
    %dma_start3A_68 = arith.constant 0 : i32
    %dma_start3A_69 = tpu.memref_slice %arg4[%add3A_62, %dma_start3A_68] : memref<8192x1024xf32, #tpu.memory_space<hbm>> -> memref<16x1024xf32, #tpu.memory_space<hbm>>
    %dma_start3A_70 = arith.constant 0 : i32
    %dma_start3A_71 = tpu.memref_slice %arg4[%add3A_62, %dma_start3A_70] : memref<8192x1024xf32, #tpu.memory_space<hbm>> -> memref<16x1024xf32, #tpu.memory_space<hbm>>
    %dma_start3A_72 = arith.constant 0 : i32
    %dma_start3A_73 = arith.constant 0 : i32
    %dma_start3A_74 = tpu.memref_slice %arg6[%dma_start3A_63, %dma_start3A_72, %dma_start3A_73] : memref<6x16x1024xf32, #tpu.memory_space<vmem>> -> memref<1x16x1024xf32, #tpu.memory_space<vmem>>
    %dma_start3A_75 = tpu.memref_squeeze %dma_start3A_74 : memref<1x16x1024xf32, #tpu.memory_space<vmem>> -> memref<16x1024xf32, #tpu.memory_space<vmem>>
    tpu.enqueue_dma source(%dma_start3A_75 : memref<16x1024xf32, #tpu.memory_space<vmem>>) target(%dma_start3A_71 : memref<16x1024xf32, #tpu.memory_space<hbm>>) target_semaphore(%arg13 : memref<!tpu.dma_semaphore, #tpu.memory_space<semaphore_mem>>)
    %dma_start3A_76 = arith.constant 5 : i32
    %dma_start3A_77 = arith.constant 0 : i32
    %dma_start3A_78 = arith.constant 0 : i32
    %dma_start3A_79 = tpu.memref_slice %arg6[%dma_start3A_76, %dma_start3A_77, %dma_start3A_78] : memref<6x16x1024xf32, #tpu.memory_space<vmem>> -> memref<1x16x1024xf32, #tpu.memory_space<vmem>>
    %dma_start3A_80 = tpu.memref_squeeze %dma_start3A_79 : memref<1x16x1024xf32, #tpu.memory_space<vmem>> -> memref<16x1024xf32, #tpu.memory_space<vmem>>
    %dma_start3A_81 = arith.constant 80 : i32
    %dma_start3A_82 = tpu.memref_slice %arg5[%dma_start3A_81] : memref<256xi32, #tpu.memory_space<vmem>> -> memref<16xi32, #tpu.memory_space<vmem>>
    %dma_start3A_83 = arith.constant 0 : i32
    %dma_start3A_84 = arith.constant 0 : i32
    %dma_start3A_85 = tpu.memref_slice %arg2[%dma_start3A_83, %dma_start3A_84] : memref<32768x1024xf32, #tpu.memory_space<hbm>> -> memref<32768x1024xf32, #tpu.memory_space<hbm>>
    tpu.enqueue_indirect_dma source(%dma_start3A_85 : memref<32768x1024xf32, #tpu.memory_space<hbm>>) target(%dma_start3A_80 : memref<16x1024xf32, #tpu.memory_space<vmem>>) offsets(%dma_start3A_82 : memref<16xi32, #tpu.memory_space<vmem>>) semaphore(%arg12 : memref<!tpu.dma_semaphore, #tpu.memory_space<semaphore_mem>>)
    %dma_wait3A_86 = arith.constant 1 : i32
    %dma_wait3A_87 = arith.constant 0 : i32
    %dma_wait3A_88 = arith.constant 0 : i32
    %dma_wait3A_89 = tpu.memref_slice %arg6[%dma_wait3A_86, %dma_wait3A_87, %dma_wait3A_88] : memref<6x16x1024xf32, #tpu.memory_space<vmem>> -> memref<1x16x1024xf32, #tpu.memory_space<vmem>>
    %dma_wait3A_90 = tpu.memref_squeeze %dma_wait3A_89 : memref<1x16x1024xf32, #tpu.memory_space<vmem>> -> memref<16x1024xf32, #tpu.memory_space<vmem>>
    %dma_wait3A_91 = arith.constant 16 : i32
    %dma_wait3A_92 = tpu.memref_slice %arg5[%dma_wait3A_91] : memref<256xi32, #tpu.memory_space<vmem>> -> memref<16xi32, #tpu.memory_space<vmem>>
    %dma_wait3A_93 = arith.constant 0 : i32
    %dma_wait3A_94 = arith.constant 0 : i32
    %dma_wait3A_95 = tpu.memref_slice %arg2[%dma_wait3A_93, %dma_wait3A_94] : memref<32768x1024xf32, #tpu.memory_space<hbm>> -> memref<32768x1024xf32, #tpu.memory_space<hbm>>
    tpu.wait_indirect_dma semaphore(%arg8 : memref<!tpu.dma_semaphore, #tpu.memory_space<semaphore_mem>>) src(%dma_wait3A_95 : memref<32768x1024xf32, #tpu.memory_space<hbm>>) dst(%dma_wait3A_90 : memref<16x1024xf32, #tpu.memory_space<vmem>>)
    %add3A_96 = arith.constant 16 : i32
    %add3A_97 = arith.addi %mul3A_2, %add3A_96 : i32
    %dma_start3A_98 = arith.constant 1 : i32
    %dma_start3A_99 = arith.constant 0 : i32
    %dma_start3A_100 = arith.constant 0 : i32
    %dma_start3A_101 = tpu.memref_slice %arg6[%dma_start3A_98, %dma_start3A_99, %dma_start3A_100] : memref<6x16x1024xf32, #tpu.memory_space<vmem>> -> memref<1x16x1024xf32, #tpu.memory_space<vmem>>
    %dma_start3A_102 = tpu.memref_squeeze %dma_start3A_101 : memref<1x16x1024xf32, #tpu.memory_space<vmem>> -> memref<16x1024xf32, #tpu.memory_space<vmem>>
    %dma_start3A_103 = arith.constant 0 : i32
    %dma_start3A_104 = tpu.memref_slice %arg4[%add3A_97, %dma_start3A_103] : memref<8192x1024xf32, #tpu.memory_space<hbm>> -> memref<16x1024xf32, #tpu.memory_space<hbm>>
    %dma_start3A_105 = arith.constant 0 : i32
    %dma_start3A_106 = tpu.memref_slice %arg4[%add3A_97, %dma_start3A_105] : memref<8192x1024xf32, #tpu.memory_space<hbm>> -> memref<16x1024xf32, #tpu.memory_space<hbm>>
    %dma_start3A_107 = arith.constant 0 : i32
    %dma_start3A_108 = arith.constant 0 : i32
    %dma_start3A_109 = tpu.memref_slice %arg6[%dma_start3A_98, %dma_start3A_107, %dma_start3A_108] : memref<6x16x1024xf32, #tpu.memory_space<vmem>> -> memref<1x16x1024xf32, #tpu.memory_space<vmem>>
    %dma_start3A_110 = tpu.memref_squeeze %dma_start3A_109 : memref<1x16x1024xf32, #tpu.memory_space<vmem>> -> memref<16x1024xf32, #tpu.memory_space<vmem>>
    tpu.enqueue_dma source(%dma_start3A_110 : memref<16x1024xf32, #tpu.memory_space<vmem>>) target(%dma_start3A_106 : memref<16x1024xf32, #tpu.memory_space<hbm>>) target_semaphore(%arg14 : memref<!tpu.dma_semaphore, #tpu.memory_space<semaphore_mem>>)
    %dma_wait3A_111 = arith.constant 0 : i32
    %dma_wait3A_112 = arith.constant 0 : i32
    %dma_wait3A_113 = arith.constant 0 : i32
    %dma_wait3A_114 = tpu.memref_slice %arg6[%dma_wait3A_111, %dma_wait3A_112, %dma_wait3A_113] : memref<6x16x1024xf32, #tpu.memory_space<vmem>> -> memref<1x16x1024xf32, #tpu.memory_space<vmem>>
    %dma_wait3A_115 = tpu.memref_squeeze %dma_wait3A_114 : memref<1x16x1024xf32, #tpu.memory_space<vmem>> -> memref<16x1024xf32, #tpu.memory_space<vmem>>
    %dma_wait3A_116 = arith.constant 0 : i32
    %dma_wait3A_117 = tpu.memref_slice %arg4[%add3A_62, %dma_wait3A_116] : memref<8192x1024xf32, #tpu.memory_space<hbm>> -> memref<16x1024xf32, #tpu.memory_space<hbm>>
    %dma_wait3A_118 = arith.constant 0 : i32
    %dma_wait3A_119 = tpu.memref_slice %arg4[%add3A_62, %dma_wait3A_118] : memref<8192x1024xf32, #tpu.memory_space<hbm>> -> memref<16x1024xf32, #tpu.memory_space<hbm>>
    %dma_wait3A_120 = arith.constant 0 : i32
    %dma_wait3A_121 = arith.constant 0 : i32
    %dma_wait3A_122 = tpu.memref_slice %arg6[%dma_wait3A_111, %dma_wait3A_120, %dma_wait3A_121] : memref<6x16x1024xf32, #tpu.memory_space<vmem>> -> memref<1x16x1024xf32, #tpu.memory_space<vmem>>
    %dma_wait3A_123 = tpu.memref_squeeze %dma_wait3A_122 : memref<1x16x1024xf32, #tpu.memory_space<vmem>> -> memref<16x1024xf32, #tpu.memory_space<vmem>>
    tpu.wait_dma2 semaphore(%arg13 : memref<!tpu.dma_semaphore, #tpu.memory_space<semaphore_mem>>) src(%dma_wait3A_123 : memref<16x1024xf32, #tpu.memory_space<vmem>>) dst(%dma_wait3A_119 : memref<16x1024xf32, #tpu.memory_space<hbm>>)
    %dma_start3A_124 = arith.constant 0 : i32
    %dma_start3A_125 = arith.constant 0 : i32
    %dma_start3A_126 = arith.constant 0 : i32
    %dma_start3A_127 = tpu.memref_slice %arg6[%dma_start3A_124, %dma_start3A_125, %dma_start3A_126] : memref<6x16x1024xf32, #tpu.memory_space<vmem>> -> memref<1x16x1024xf32, #tpu.memory_space<vmem>>
    %dma_start3A_128 = tpu.memref_squeeze %dma_start3A_127 : memref<1x16x1024xf32, #tpu.memory_space<vmem>> -> memref<16x1024xf32, #tpu.memory_space<vmem>>
    %dma_start3A_129 = arith.constant 96 : i32
    %dma_start3A_130 = tpu.memref_slice %arg5[%dma_start3A_129] : memref<256xi32, #tpu.memory_space<vmem>> -> memref<16xi32, #tpu.memory_space<vmem>>
    %dma_start3A_131 = arith.constant 0 : i32
    %dma_start3A_132 = arith.constant 0 : i32
    %dma_start3A_133 = tpu.memref_slice %arg2[%dma_start3A_131, %dma_start3A_132] : memref<32768x1024xf32, #tpu.memory_space<hbm>> -> memref<32768x1024xf32, #tpu.memory_space<hbm>>
    tpu.enqueue_indirect_dma source(%dma_start3A_133 : memref<32768x1024xf32, #tpu.memory_space<hbm>>) target(%dma_start3A_128 : memref<16x1024xf32, #tpu.memory_space<vmem>>) offsets(%dma_start3A_130 : memref<16xi32, #tpu.memory_space<vmem>>) semaphore(%arg7 : memref<!tpu.dma_semaphore, #tpu.memory_space<semaphore_mem>>)
    %dma_wait3A_134 = arith.constant 2 : i32
    %dma_wait3A_135 = arith.constant 0 : i32
    %dma_wait3A_136 = arith.constant 0 : i32
    %dma_wait3A_137 = tpu.memref_slice %arg6[%dma_wait3A_134, %dma_wait3A_135, %dma_wait3A_136] : memref<6x16x1024xf32, #tpu.memory_space<vmem>> -> memref<1x16x1024xf32, #tpu.memory_space<vmem>>
    %dma_wait3A_138 = tpu.memref_squeeze %dma_wait3A_137 : memref<1x16x1024xf32, #tpu.memory_space<vmem>> -> memref<16x1024xf32, #tpu.memory_space<vmem>>
    %dma_wait3A_139 = arith.constant 32 : i32
    %dma_wait3A_140 = tpu.memref_slice %arg5[%dma_wait3A_139] : memref<256xi32, #tpu.memory_space<vmem>> -> memref<16xi32, #tpu.memory_space<vmem>>
    %dma_wait3A_141 = arith.constant 0 : i32
    %dma_wait3A_142 = arith.constant 0 : i32
    %dma_wait3A_143 = tpu.memref_slice %arg2[%dma_wait3A_141, %dma_wait3A_142] : memref<32768x1024xf32, #tpu.memory_space<hbm>> -> memref<32768x1024xf32, #tpu.memory_space<hbm>>
    tpu.wait_indirect_dma semaphore(%arg9 : memref<!tpu.dma_semaphore, #tpu.memory_space<semaphore_mem>>) src(%dma_wait3A_143 : memref<32768x1024xf32, #tpu.memory_space<hbm>>) dst(%dma_wait3A_138 : memref<16x1024xf32, #tpu.memory_space<vmem>>)
    %add3A_144 = arith.constant 32 : i32
    %add3A_145 = arith.addi %mul3A_2, %add3A_144 : i32
    %dma_start3A_146 = arith.constant 2 : i32
    %dma_start3A_147 = arith.constant 0 : i32
    %dma_start3A_148 = arith.constant 0 : i32
    %dma_start3A_149 = tpu.memref_slice %arg6[%dma_start3A_146, %dma_start3A_147, %dma_start3A_148] : memref<6x16x1024xf32, #tpu.memory_space<vmem>> -> memref<1x16x1024xf32, #tpu.memory_space<vmem>>
    %dma_start3A_150 = tpu.memref_squeeze %dma_start3A_149 : memref<1x16x1024xf32, #tpu.memory_space<vmem>> -> memref<16x1024xf32, #tpu.memory_space<vmem>>
    %dma_start3A_151 = arith.constant 0 : i32
    %dma_start3A_152 = tpu.memref_slice %arg4[%add3A_145, %dma_start3A_151] : memref<8192x1024xf32, #tpu.memory_space<hbm>> -> memref<16x1024xf32, #tpu.memory_space<hbm>>
    %dma_start3A_153 = arith.constant 0 : i32
    %dma_start3A_154 = tpu.memref_slice %arg4[%add3A_145, %dma_start3A_153] : memref<8192x1024xf32, #tpu.memory_space<hbm>> -> memref<16x1024xf32, #tpu.memory_space<hbm>>
    %dma_start3A_155 = arith.constant 0 : i32
    %dma_start3A_156 = arith.constant 0 : i32
    %dma_start3A_157 = tpu.memref_slice %arg6[%dma_start3A_146, %dma_start3A_155, %dma_start3A_156] : memref<6x16x1024xf32, #tpu.memory_space<vmem>> -> memref<1x16x1024xf32, #tpu.memory_space<vmem>>
    %dma_start3A_158 = tpu.memref_squeeze %dma_start3A_157 : memref<1x16x1024xf32, #tpu.memory_space<vmem>> -> memref<16x1024xf32, #tpu.memory_space<vmem>>
    tpu.enqueue_dma source(%dma_start3A_158 : memref<16x1024xf32, #tpu.memory_space<vmem>>) target(%dma_start3A_154 : memref<16x1024xf32, #tpu.memory_space<hbm>>) target_semaphore(%arg15 : memref<!tpu.dma_semaphore, #tpu.memory_space<semaphore_mem>>)
    %dma_wait3A_159 = arith.constant 1 : i32
    %dma_wait3A_160 = arith.constant 0 : i32
    %dma_wait3A_161 = arith.constant 0 : i32
    %dma_wait3A_162 = tpu.memref_slice %arg6[%dma_wait3A_159, %dma_wait3A_160, %dma_wait3A_161] : memref<6x16x1024xf32, #tpu.memory_space<vmem>> -> memref<1x16x1024xf32, #tpu.memory_space<vmem>>
    %dma_wait3A_163 = tpu.memref_squeeze %dma_wait3A_162 : memref<1x16x1024xf32, #tpu.memory_space<vmem>> -> memref<16x1024xf32, #tpu.memory_space<vmem>>
    %dma_wait3A_164 = arith.constant 0 : i32
    %dma_wait3A_165 = tpu.memref_slice %arg4[%add3A_97, %dma_wait3A_164] : memref<8192x1024xf32, #tpu.memory_space<hbm>> -> memref<16x1024xf32, #tpu.memory_space<hbm>>
    %dma_wait3A_166 = arith.constant 0 : i32
    %dma_wait3A_167 = tpu.memref_slice %arg4[%add3A_97, %dma_wait3A_166] : memref<8192x1024xf32, #tpu.memory_space<hbm>> -> memref<16x1024xf32, #tpu.memory_space<hbm>>
    %dma_wait3A_168 = arith.constant 0 : i32
    %dma_wait3A_169 = arith.constant 0 : i32
    %dma_wait3A_170 = tpu.memref_slice %arg6[%dma_wait3A_159, %dma_wait3A_168, %dma_wait3A_169] : memref<6x16x1024xf32, #tpu.memory_space<vmem>> -> memref<1x16x1024xf32, #tpu.memory_space<vmem>>
    %dma_wait3A_171 = tpu.memref_squeeze %dma_wait3A_170 : memref<1x16x1024xf32, #tpu.memory_space<vmem>> -> memref<16x1024xf32, #tpu.memory_space<vmem>>
    tpu.wait_dma2 semaphore(%arg14 : memref<!tpu.dma_semaphore, #tpu.memory_space<semaphore_mem>>) src(%dma_wait3A_171 : memref<16x1024xf32, #tpu.memory_space<vmem>>) dst(%dma_wait3A_167 : memref<16x1024xf32, #tpu.memory_space<hbm>>)
    %dma_start3A_172 = arith.constant 1 : i32
    %dma_start3A_173 = arith.constant 0 : i32
    %dma_start3A_174 = arith.constant 0 : i32
    %dma_start3A_175 = tpu.memref_slice %arg6[%dma_start3A_172, %dma_start3A_173, %dma_start3A_174] : memref<6x16x1024xf32, #tpu.memory_space<vmem>> -> memref<1x16x1024xf32, #tpu.memory_space<vmem>>
    %dma_start3A_176 = tpu.memref_squeeze %dma_start3A_175 : memref<1x16x1024xf32, #tpu.memory_space<vmem>> -> memref<16x1024xf32, #tpu.memory_space<vmem>>
    %dma_start3A_177 = arith.constant 112 : i32
    %dma_start3A_178 = tpu.memref_slice %arg5[%dma_start3A_177] : memref<256xi32, #tpu.memory_space<vmem>> -> memref<16xi32, #tpu.memory_space<vmem>>
    %dma_start3A_179 = arith.constant 0 : i32
    %dma_start3A_180 = arith.constant 0 : i32
    %dma_start3A_181 = tpu.memref_slice %arg2[%dma_start3A_179, %dma_start3A_180] : memref<32768x1024xf32, #tpu.memory_space<hbm>> -> memref<32768x1024xf32, #tpu.memory_space<hbm>>
    tpu.enqueue_indirect_dma source(%dma_start3A_181 : memref<32768x1024xf32, #tpu.memory_space<hbm>>) target(%dma_start3A_176 : memref<16x1024xf32, #tpu.memory_space<vmem>>) offsets(%dma_start3A_178 : memref<16xi32, #tpu.memory_space<vmem>>) semaphore(%arg8 : memref<!tpu.dma_semaphore, #tpu.memory_space<semaphore_mem>>)
    %dma_wait3A_182 = arith.constant 3 : i32
    %dma_wait3A_183 = arith.constant 0 : i32
    %dma_wait3A_184 = arith.constant 0 : i32
    %dma_wait3A_185 = tpu.memref_slice %arg6[%dma_wait3A_182, %dma_wait3A_183, %dma_wait3A_184] : memref<6x16x1024xf32, #tpu.memory_space<vmem>> -> memref<1x16x1024xf32, #tpu.memory_space<vmem>>
    %dma_wait3A_186 = tpu.memref_squeeze %dma_wait3A_185 : memref<1x16x1024xf32, #tpu.memory_space<vmem>> -> memref<16x1024xf32, #tpu.memory_space<vmem>>
    %dma_wait3A_187 = arith.constant 48 : i32
    %dma_wait3A_188 = tpu.memref_slice %arg5[%dma_wait3A_187] : memref<256xi32, #tpu.memory_space<vmem>> -> memref<16xi32, #tpu.memory_space<vmem>>
    %dma_wait3A_189 = arith.constant 0 : i32
    %dma_wait3A_190 = arith.constant 0 : i32
    %dma_wait3A_191 = tpu.memref_slice %arg2[%dma_wait3A_189, %dma_wait3A_190] : memref<32768x1024xf32, #tpu.memory_space<hbm>> -> memref<32768x1024xf32, #tpu.memory_space<hbm>>
    tpu.wait_indirect_dma semaphore(%arg10 : memref<!tpu.dma_semaphore, #tpu.memory_space<semaphore_mem>>) src(%dma_wait3A_191 : memref<32768x1024xf32, #tpu.memory_space<hbm>>) dst(%dma_wait3A_186 : memref<16x1024xf32, #tpu.memory_space<vmem>>)
    %add3A_192 = arith.constant 48 : i32
    %add3A_193 = arith.addi %mul3A_2, %add3A_192 : i32
    %dma_start3A_194 = arith.constant 3 : i32
    %dma_start3A_195 = arith.constant 0 : i32
    %dma_start3A_196 = arith.constant 0 : i32
    %dma_start3A_197 = tpu.memref_slice %arg6[%dma_start3A_194, %dma_start3A_195, %dma_start3A_196] : memref<6x16x1024xf32, #tpu.memory_space<vmem>> -> memref<1x16x1024xf32, #tpu.memory_space<vmem>>
    %dma_start3A_198 = tpu.memref_squeeze %dma_start3A_197 : memref<1x16x1024xf32, #tpu.memory_space<vmem>> -> memref<16x1024xf32, #tpu.memory_space<vmem>>
    %dma_start3A_199 = arith.constant 0 : i32
    %dma_start3A_200 = tpu.memref_slice %arg4[%add3A_193, %dma_start3A_199] : memref<8192x1024xf32, #tpu.memory_space<hbm>> -> memref<16x1024xf32, #tpu.memory_space<hbm>>
    %dma_start3A_201 = arith.constant 0 : i32
    %dma_start3A_202 = tpu.memref_slice %arg4[%add3A_193, %dma_start3A_201] : memref<8192x1024xf32, #tpu.memory_space<hbm>> -> memref<16x1024xf32, #tpu.memory_space<hbm>>
    %dma_start3A_203 = arith.constant 0 : i32
    %dma_start3A_204 = arith.constant 0 : i32
    %dma_start3A_205 = tpu.memref_slice %arg6[%dma_start3A_194, %dma_start3A_203, %dma_start3A_204] : memref<6x16x1024xf32, #tpu.memory_space<vmem>> -> memref<1x16x1024xf32, #tpu.memory_space<vmem>>
    %dma_start3A_206 = tpu.memref_squeeze %dma_start3A_205 : memref<1x16x1024xf32, #tpu.memory_space<vmem>> -> memref<16x1024xf32, #tpu.memory_space<vmem>>
    tpu.enqueue_dma source(%dma_start3A_206 : memref<16x1024xf32, #tpu.memory_space<vmem>>) target(%dma_start3A_202 : memref<16x1024xf32, #tpu.memory_space<hbm>>) target_semaphore(%arg16 : memref<!tpu.dma_semaphore, #tpu.memory_space<semaphore_mem>>)
    %dma_wait3A_207 = arith.constant 2 : i32
    %dma_wait3A_208 = arith.constant 0 : i32
    %dma_wait3A_209 = arith.constant 0 : i32
    %dma_wait3A_210 = tpu.memref_slice %arg6[%dma_wait3A_207, %dma_wait3A_208, %dma_wait3A_209] : memref<6x16x1024xf32, #tpu.memory_space<vmem>> -> memref<1x16x1024xf32, #tpu.memory_space<vmem>>
    %dma_wait3A_211 = tpu.memref_squeeze %dma_wait3A_210 : memref<1x16x1024xf32, #tpu.memory_space<vmem>> -> memref<16x1024xf32, #tpu.memory_space<vmem>>
    %dma_wait3A_212 = arith.constant 0 : i32
    %dma_wait3A_213 = tpu.memref_slice %arg4[%add3A_145, %dma_wait3A_212] : memref<8192x1024xf32, #tpu.memory_space<hbm>> -> memref<16x1024xf32, #tpu.memory_space<hbm>>
    %dma_wait3A_214 = arith.constant 0 : i32
    %dma_wait3A_215 = tpu.memref_slice %arg4[%add3A_145, %dma_wait3A_214] : memref<8192x1024xf32, #tpu.memory_space<hbm>> -> memref<16x1024xf32, #tpu.memory_space<hbm>>
    %dma_wait3A_216 = arith.constant 0 : i32
    %dma_wait3A_217 = arith.constant 0 : i32
    %dma_wait3A_218 = tpu.memref_slice %arg6[%dma_wait3A_207, %dma_wait3A_216, %dma_wait3A_217] : memref<6x16x1024xf32, #tpu.memory_space<vmem>> -> memref<1x16x1024xf32, #tpu.memory_space<vmem>>
    %dma_wait3A_219 = tpu.memref_squeeze %dma_wait3A_218 : memref<1x16x1024xf32, #tpu.memory_space<vmem>> -> memref<16x1024xf32, #tpu.memory_space<vmem>>
    tpu.wait_dma2 semaphore(%arg15 : memref<!tpu.dma_semaphore, #tpu.memory_space<semaphore_mem>>) src(%dma_wait3A_219 : memref<16x1024xf32, #tpu.memory_space<vmem>>) dst(%dma_wait3A_215 : memref<16x1024xf32, #tpu.memory_space<hbm>>)
    %dma_start3A_220 = arith.constant 2 : i32
    %dma_start3A_221 = arith.constant 0 : i32
    %dma_start3A_222 = arith.constant 0 : i32
    %dma_start3A_223 = tpu.memref_slice %arg6[%dma_start3A_220, %dma_start3A_221, %dma_start3A_222] : memref<6x16x1024xf32, #tpu.memory_space<vmem>> -> memref<1x16x1024xf32, #tpu.memory_space<vmem>>
    %dma_start3A_224 = tpu.memref_squeeze %dma_start3A_223 : memref<1x16x1024xf32, #tpu.memory_space<vmem>> -> memref<16x1024xf32, #tpu.memory_space<vmem>>
    %dma_start3A_225 = arith.constant 128 : i32
    %dma_start3A_226 = tpu.memref_slice %arg5[%dma_start3A_225] : memref<256xi32, #tpu.memory_space<vmem>> -> memref<16xi32, #tpu.memory_space<vmem>>
    %dma_start3A_227 = arith.constant 0 : i32
    %dma_start3A_228 = arith.constant 0 : i32
    %dma_start3A_229 = tpu.memref_slice %arg2[%dma_start3A_227, %dma_start3A_228] : memref<32768x1024xf32, #tpu.memory_space<hbm>> -> memref<32768x1024xf32, #tpu.memory_space<hbm>>
    tpu.enqueue_indirect_dma source(%dma_start3A_229 : memref<32768x1024xf32, #tpu.memory_space<hbm>>) target(%dma_start3A_224 : memref<16x1024xf32, #tpu.memory_space<vmem>>) offsets(%dma_start3A_226 : memref<16xi32, #tpu.memory_space<vmem>>) semaphore(%arg9 : memref<!tpu.dma_semaphore, #tpu.memory_space<semaphore_mem>>)
    %dma_wait3A_230 = arith.constant 4 : i32
    %dma_wait3A_231 = arith.constant 0 : i32
    %dma_wait3A_232 = arith.constant 0 : i32
    %dma_wait3A_233 = tpu.memref_slice %arg6[%dma_wait3A_230, %dma_wait3A_231, %dma_wait3A_232] : memref<6x16x1024xf32, #tpu.memory_space<vmem>> -> memref<1x16x1024xf32, #tpu.memory_space<vmem>>
    %dma_wait3A_234 = tpu.memref_squeeze %dma_wait3A_233 : memref<1x16x1024xf32, #tpu.memory_space<vmem>> -> memref<16x1024xf32, #tpu.memory_space<vmem>>
    %dma_wait3A_235 = arith.constant 64 : i32
    %dma_wait3A_236 = tpu.memref_slice %arg5[%dma_wait3A_235] : memref<256xi32, #tpu.memory_space<vmem>> -> memref<16xi32, #tpu.memory_space<vmem>>
    %dma_wait3A_237 = arith.constant 0 : i32
    %dma_wait3A_238 = arith.constant 0 : i32
    %dma_wait3A_239 = tpu.memref_slice %arg2[%dma_wait3A_237, %dma_wait3A_238] : memref<32768x1024xf32, #tpu.memory_space<hbm>> -> memref<32768x1024xf32, #tpu.memory_space<hbm>>
    tpu.wait_indirect_dma semaphore(%arg11 : memref<!tpu.dma_semaphore, #tpu.memory_space<semaphore_mem>>) src(%dma_wait3A_239 : memref<32768x1024xf32, #tpu.memory_space<hbm>>) dst(%dma_wait3A_234 : memref<16x1024xf32, #tpu.memory_space<vmem>>)
    %add3A_240 = arith.constant 64 : i32
    %add3A_241 = arith.addi %mul3A_2, %add3A_240 : i32
    %dma_start3A_242 = arith.constant 4 : i32
    %dma_start3A_243 = arith.constant 0 : i32
    %dma_start3A_244 = arith.constant 0 : i32
    %dma_start3A_245 = tpu.memref_slice %arg6[%dma_start3A_242, %dma_start3A_243, %dma_start3A_244] : memref<6x16x1024xf32, #tpu.memory_space<vmem>> -> memref<1x16x1024xf32, #tpu.memory_space<vmem>>
    %dma_start3A_246 = tpu.memref_squeeze %dma_start3A_245 : memref<1x16x1024xf32, #tpu.memory_space<vmem>> -> memref<16x1024xf32, #tpu.memory_space<vmem>>
    %dma_start3A_247 = arith.constant 0 : i32
    %dma_start3A_248 = tpu.memref_slice %arg4[%add3A_241, %dma_start3A_247] : memref<8192x1024xf32, #tpu.memory_space<hbm>> -> memref<16x1024xf32, #tpu.memory_space<hbm>>
    %dma_start3A_249 = arith.constant 0 : i32
    %dma_start3A_250 = tpu.memref_slice %arg4[%add3A_241, %dma_start3A_249] : memref<8192x1024xf32, #tpu.memory_space<hbm>> -> memref<16x1024xf32, #tpu.memory_space<hbm>>
    %dma_start3A_251 = arith.constant 0 : i32
    %dma_start3A_252 = arith.constant 0 : i32
    %dma_start3A_253 = tpu.memref_slice %arg6[%dma_start3A_242, %dma_start3A_251, %dma_start3A_252] : memref<6x16x1024xf32, #tpu.memory_space<vmem>> -> memref<1x16x1024xf32, #tpu.memory_space<vmem>>
    %dma_start3A_254 = tpu.memref_squeeze %dma_start3A_253 : memref<1x16x1024xf32, #tpu.memory_space<vmem>> -> memref<16x1024xf32, #tpu.memory_space<vmem>>
    tpu.enqueue_dma source(%dma_start3A_254 : memref<16x1024xf32, #tpu.memory_space<vmem>>) target(%dma_start3A_250 : memref<16x1024xf32, #tpu.memory_space<hbm>>) target_semaphore(%arg17 : memref<!tpu.dma_semaphore, #tpu.memory_space<semaphore_mem>>)
    %dma_wait3A_255 = arith.constant 3 : i32
    %dma_wait3A_256 = arith.constant 0 : i32
    %dma_wait3A_257 = arith.constant 0 : i32
    %dma_wait3A_258 = tpu.memref_slice %arg6[%dma_wait3A_255, %dma_wait3A_256, %dma_wait3A_257] : memref<6x16x1024xf32, #tpu.memory_space<vmem>> -> memref<1x16x1024xf32, #tpu.memory_space<vmem>>
    %dma_wait3A_259 = tpu.memref_squeeze %dma_wait3A_258 : memref<1x16x1024xf32, #tpu.memory_space<vmem>> -> memref<16x1024xf32, #tpu.memory_space<vmem>>
    %dma_wait3A_260 = arith.constant 0 : i32
    %dma_wait3A_261 = tpu.memref_slice %arg4[%add3A_193, %dma_wait3A_260] : memref<8192x1024xf32, #tpu.memory_space<hbm>> -> memref<16x1024xf32, #tpu.memory_space<hbm>>
    %dma_wait3A_262 = arith.constant 0 : i32
    %dma_wait3A_263 = tpu.memref_slice %arg4[%add3A_193, %dma_wait3A_262] : memref<8192x1024xf32, #tpu.memory_space<hbm>> -> memref<16x1024xf32, #tpu.memory_space<hbm>>
    %dma_wait3A_264 = arith.constant 0 : i32
    %dma_wait3A_265 = arith.constant 0 : i32
    %dma_wait3A_266 = tpu.memref_slice %arg6[%dma_wait3A_255, %dma_wait3A_264, %dma_wait3A_265] : memref<6x16x1024xf32, #tpu.memory_space<vmem>> -> memref<1x16x1024xf32, #tpu.memory_space<vmem>>
    %dma_wait3A_267 = tpu.memref_squeeze %dma_wait3A_266 : memref<1x16x1024xf32, #tpu.memory_space<vmem>> -> memref<16x1024xf32, #tpu.memory_space<vmem>>
    tpu.wait_dma2 semaphore(%arg16 : memref<!tpu.dma_semaphore, #tpu.memory_space<semaphore_mem>>) src(%dma_wait3A_267 : memref<16x1024xf32, #tpu.memory_space<vmem>>) dst(%dma_wait3A_263 : memref<16x1024xf32, #tpu.memory_space<hbm>>)
    %dma_start3A_268 = arith.constant 3 : i32
    %dma_start3A_269 = arith.constant 0 : i32
    %dma_start3A_270 = arith.constant 0 : i32
    %dma_start3A_271 = tpu.memref_slice %arg6[%dma_start3A_268, %dma_start3A_269, %dma_start3A_270] : memref<6x16x1024xf32, #tpu.memory_space<vmem>> -> memref<1x16x1024xf32, #tpu.memory_space<vmem>>
    %dma_start3A_272 = tpu.memref_squeeze %dma_start3A_271 : memref<1x16x1024xf32, #tpu.memory_space<vmem>> -> memref<16x1024xf32, #tpu.memory_space<vmem>>
    %dma_start3A_273 = arith.constant 144 : i32
    %dma_start3A_274 = tpu.memref_slice %arg5[%dma_start3A_273] : memref<256xi32, #tpu.memory_space<vmem>> -> memref<16xi32, #tpu.memory_space<vmem>>
    %dma_start3A_275 = arith.constant 0 : i32
    %dma_start3A_276 = arith.constant 0 : i32
    %dma_start3A_277 = tpu.memref_slice %arg2[%dma_start3A_275, %dma_start3A_276] : memref<32768x1024xf32, #tpu.memory_space<hbm>> -> memref<32768x1024xf32, #tpu.memory_space<hbm>>
    tpu.enqueue_indirect_dma source(%dma_start3A_277 : memref<32768x1024xf32, #tpu.memory_space<hbm>>) target(%dma_start3A_272 : memref<16x1024xf32, #tpu.memory_space<vmem>>) offsets(%dma_start3A_274 : memref<16xi32, #tpu.memory_space<vmem>>) semaphore(%arg10 : memref<!tpu.dma_semaphore, #tpu.memory_space<semaphore_mem>>)
    %dma_wait3A_278 = arith.constant 5 : i32
    %dma_wait3A_279 = arith.constant 0 : i32
    %dma_wait3A_280 = arith.constant 0 : i32
    %dma_wait3A_281 = tpu.memref_slice %arg6[%dma_wait3A_278, %dma_wait3A_279, %dma_wait3A_280] : memref<6x16x1024xf32, #tpu.memory_space<vmem>> -> memref<1x16x1024xf32, #tpu.memory_space<vmem>>
    %dma_wait3A_282 = tpu.memref_squeeze %dma_wait3A_281 : memref<1x16x1024xf32, #tpu.memory_space<vmem>> -> memref<16x1024xf32, #tpu.memory_space<vmem>>
    %dma_wait3A_283 = arith.constant 80 : i32
    %dma_wait3A_284 = tpu.memref_slice %arg5[%dma_wait3A_283] : memref<256xi32, #tpu.memory_space<vmem>> -> memref<16xi32, #tpu.memory_space<vmem>>
    %dma_wait3A_285 = arith.constant 0 : i32
    %dma_wait3A_286 = arith.constant 0 : i32
    %dma_wait3A_287 = tpu.memref_slice %arg2[%dma_wait3A_285, %dma_wait3A_286] : memref<32768x1024xf32, #tpu.memory_space<hbm>> -> memref<32768x1024xf32, #tpu.memory_space<hbm>>
    tpu.wait_indirect_dma semaphore(%arg12 : memref<!tpu.dma_semaphore, #tpu.memory_space<semaphore_mem>>) src(%dma_wait3A_287 : memref<32768x1024xf32, #tpu.memory_space<hbm>>) dst(%dma_wait3A_282 : memref<16x1024xf32, #tpu.memory_space<vmem>>)
    %add3A_288 = arith.constant 80 : i32
    %add3A_289 = arith.addi %mul3A_2, %add3A_288 : i32
    %dma_start3A_290 = arith.constant 5 : i32
    %dma_start3A_291 = arith.constant 0 : i32
    %dma_start3A_292 = arith.constant 0 : i32
    %dma_start3A_293 = tpu.memref_slice %arg6[%dma_start3A_290, %dma_start3A_291, %dma_start3A_292] : memref<6x16x1024xf32, #tpu.memory_space<vmem>> -> memref<1x16x1024xf32, #tpu.memory_space<vmem>>
    %dma_start3A_294 = tpu.memref_squeeze %dma_start3A_293 : memref<1x16x1024xf32, #tpu.memory_space<vmem>> -> memref<16x1024xf32, #tpu.memory_space<vmem>>
    %dma_start3A_295 = arith.constant 0 : i32
    %dma_start3A_296 = tpu.memref_slice %arg4[%add3A_289, %dma_start3A_295] : memref<8192x1024xf32, #tpu.memory_space<hbm>> -> memref<16x1024xf32, #tpu.memory_space<hbm>>
    %dma_start3A_297 = arith.constant 0 : i32
    %dma_start3A_298 = tpu.memref_slice %arg4[%add3A_289, %dma_start3A_297] : memref<8192x1024xf32, #tpu.memory_space<hbm>> -> memref<16x1024xf32, #tpu.memory_space<hbm>>
    %dma_start3A_299 = arith.constant 0 : i32
    %dma_start3A_300 = arith.constant 0 : i32
    %dma_start3A_301 = tpu.memref_slice %arg6[%dma_start3A_290, %dma_start3A_299, %dma_start3A_300] : memref<6x16x1024xf32, #tpu.memory_space<vmem>> -> memref<1x16x1024xf32, #tpu.memory_space<vmem>>
    %dma_start3A_302 = tpu.memref_squeeze %dma_start3A_301 : memref<1x16x1024xf32, #tpu.memory_space<vmem>> -> memref<16x1024xf32, #tpu.memory_space<vmem>>
    tpu.enqueue_dma source(%dma_start3A_302 : memref<16x1024xf32, #tpu.memory_space<vmem>>) target(%dma_start3A_298 : memref<16x1024xf32, #tpu.memory_space<hbm>>) target_semaphore(%arg18 : memref<!tpu.dma_semaphore, #tpu.memory_space<semaphore_mem>>)
    %dma_wait3A_303 = arith.constant 4 : i32
    %dma_wait3A_304 = arith.constant 0 : i32
    %dma_wait3A_305 = arith.constant 0 : i32
    %dma_wait3A_306 = tpu.memref_slice %arg6[%dma_wait3A_303, %dma_wait3A_304, %dma_wait3A_305] : memref<6x16x1024xf32, #tpu.memory_space<vmem>> -> memref<1x16x1024xf32, #tpu.memory_space<vmem>>
    %dma_wait3A_307 = tpu.memref_squeeze %dma_wait3A_306 : memref<1x16x1024xf32, #tpu.memory_space<vmem>> -> memref<16x1024xf32, #tpu.memory_space<vmem>>
    %dma_wait3A_308 = arith.constant 0 : i32
    %dma_wait3A_309 = tpu.memref_slice %arg4[%add3A_241, %dma_wait3A_308] : memref<8192x1024xf32, #tpu.memory_space<hbm>> -> memref<16x1024xf32, #tpu.memory_space<hbm>>
    %dma_wait3A_310 = arith.constant 0 : i32
    %dma_wait3A_311 = tpu.memref_slice %arg4[%add3A_241, %dma_wait3A_310] : memref<8192x1024xf32, #tpu.memory_space<hbm>> -> memref<16x1024xf32, #tpu.memory_space<hbm>>
    %dma_wait3A_312 = arith.constant 0 : i32
    %dma_wait3A_313 = arith.constant 0 : i32
    %dma_wait3A_314 = tpu.memref_slice %arg6[%dma_wait3A_303, %dma_wait3A_312, %dma_wait3A_313] : memref<6x16x1024xf32, #tpu.memory_space<vmem>> -> memref<1x16x1024xf32, #tpu.memory_space<vmem>>
    %dma_wait3A_315 = tpu.memref_squeeze %dma_wait3A_314 : memref<1x16x1024xf32, #tpu.memory_space<vmem>> -> memref<16x1024xf32, #tpu.memory_space<vmem>>
    tpu.wait_dma2 semaphore(%arg17 : memref<!tpu.dma_semaphore, #tpu.memory_space<semaphore_mem>>) src(%dma_wait3A_315 : memref<16x1024xf32, #tpu.memory_space<vmem>>) dst(%dma_wait3A_311 : memref<16x1024xf32, #tpu.memory_space<hbm>>)
    %dma_start3A_316 = arith.constant 4 : i32
    %dma_start3A_317 = arith.constant 0 : i32
    %dma_start3A_318 = arith.constant 0 : i32
    %dma_start3A_319 = tpu.memref_slice %arg6[%dma_start3A_316, %dma_start3A_317, %dma_start3A_318] : memref<6x16x1024xf32, #tpu.memory_space<vmem>> -> memref<1x16x1024xf32, #tpu.memory_space<vmem>>
    %dma_start3A_320 = tpu.memref_squeeze %dma_start3A_319 : memref<1x16x1024xf32, #tpu.memory_space<vmem>> -> memref<16x1024xf32, #tpu.memory_space<vmem>>
    %dma_start3A_321 = arith.constant 160 : i32
    %dma_start3A_322 = tpu.memref_slice %arg5[%dma_start3A_321] : memref<256xi32, #tpu.memory_space<vmem>> -> memref<16xi32, #tpu.memory_space<vmem>>
    %dma_start3A_323 = arith.constant 0 : i32
    %dma_start3A_324 = arith.constant 0 : i32
    %dma_start3A_325 = tpu.memref_slice %arg2[%dma_start3A_323, %dma_start3A_324] : memref<32768x1024xf32, #tpu.memory_space<hbm>> -> memref<32768x1024xf32, #tpu.memory_space<hbm>>
    tpu.enqueue_indirect_dma source(%dma_start3A_325 : memref<32768x1024xf32, #tpu.memory_space<hbm>>) target(%dma_start3A_320 : memref<16x1024xf32, #tpu.memory_space<vmem>>) offsets(%dma_start3A_322 : memref<16xi32, #tpu.memory_space<vmem>>) semaphore(%arg11 : memref<!tpu.dma_semaphore, #tpu.memory_space<semaphore_mem>>)
    %dma_wait3A_326 = arith.constant 0 : i32
    %dma_wait3A_327 = arith.constant 0 : i32
    %dma_wait3A_328 = arith.constant 0 : i32
    %dma_wait3A_329 = tpu.memref_slice %arg6[%dma_wait3A_326, %dma_wait3A_327, %dma_wait3A_328] : memref<6x16x1024xf32, #tpu.memory_space<vmem>> -> memref<1x16x1024xf32, #tpu.memory_space<vmem>>
    %dma_wait3A_330 = tpu.memref_squeeze %dma_wait3A_329 : memref<1x16x1024xf32, #tpu.memory_space<vmem>> -> memref<16x1024xf32, #tpu.memory_space<vmem>>
    %dma_wait3A_331 = arith.constant 96 : i32
    %dma_wait3A_332 = tpu.memref_slice %arg5[%dma_wait3A_331] : memref<256xi32, #tpu.memory_space<vmem>> -> memref<16xi32, #tpu.memory_space<vmem>>
    %dma_wait3A_333 = arith.constant 0 : i32
    %dma_wait3A_334 = arith.constant 0 : i32
    %dma_wait3A_335 = tpu.memref_slice %arg2[%dma_wait3A_333, %dma_wait3A_334] : memref<32768x1024xf32, #tpu.memory_space<hbm>> -> memref<32768x1024xf32, #tpu.memory_space<hbm>>
    tpu.wait_indirect_dma semaphore(%arg7 : memref<!tpu.dma_semaphore, #tpu.memory_space<semaphore_mem>>) src(%dma_wait3A_335 : memref<32768x1024xf32, #tpu.memory_space<hbm>>) dst(%dma_wait3A_330 : memref<16x1024xf32, #tpu.memory_space<vmem>>)
    %add3A_336 = arith.constant 96 : i32
    %add3A_337 = arith.addi %mul3A_2, %add3A_336 : i32
    %dma_start3A_338 = arith.constant 0 : i32
    %dma_start3A_339 = arith.constant 0 : i32
    %dma_start3A_340 = arith.constant 0 : i32
    %dma_start3A_341 = tpu.memref_slice %arg6[%dma_start3A_338, %dma_start3A_339, %dma_start3A_340] : memref<6x16x1024xf32, #tpu.memory_space<vmem>> -> memref<1x16x1024xf32, #tpu.memory_space<vmem>>
    %dma_start3A_342 = tpu.memref_squeeze %dma_start3A_341 : memref<1x16x1024xf32, #tpu.memory_space<vmem>> -> memref<16x1024xf32, #tpu.memory_space<vmem>>
    %dma_start3A_343 = arith.constant 0 : i32
    %dma_start3A_344 = tpu.memref_slice %arg4[%add3A_337, %dma_start3A_343] : memref<8192x1024xf32, #tpu.memory_space<hbm>> -> memref<16x1024xf32, #tpu.memory_space<hbm>>
    %dma_start3A_345 = arith.constant 0 : i32
    %dma_start3A_346 = tpu.memref_slice %arg4[%add3A_337, %dma_start3A_345] : memref<8192x1024xf32, #tpu.memory_space<hbm>> -> memref<16x1024xf32, #tpu.memory_space<hbm>>
    %dma_start3A_347 = arith.constant 0 : i32
    %dma_start3A_348 = arith.constant 0 : i32
    %dma_start3A_349 = tpu.memref_slice %arg6[%dma_start3A_338, %dma_start3A_347, %dma_start3A_348] : memref<6x16x1024xf32, #tpu.memory_space<vmem>> -> memref<1x16x1024xf32, #tpu.memory_space<vmem>>
    %dma_start3A_350 = tpu.memref_squeeze %dma_start3A_349 : memref<1x16x1024xf32, #tpu.memory_space<vmem>> -> memref<16x1024xf32, #tpu.memory_space<vmem>>
    tpu.enqueue_dma source(%dma_start3A_350 : memref<16x1024xf32, #tpu.memory_space<vmem>>) target(%dma_start3A_346 : memref<16x1024xf32, #tpu.memory_space<hbm>>) target_semaphore(%arg13 : memref<!tpu.dma_semaphore, #tpu.memory_space<semaphore_mem>>)
    %dma_wait3A_351 = arith.constant 5 : i32
    %dma_wait3A_352 = arith.constant 0 : i32
    %dma_wait3A_353 = arith.constant 0 : i32
    %dma_wait3A_354 = tpu.memref_slice %arg6[%dma_wait3A_351, %dma_wait3A_352, %dma_wait3A_353] : memref<6x16x1024xf32, #tpu.memory_space<vmem>> -> memref<1x16x1024xf32, #tpu.memory_space<vmem>>
    %dma_wait3A_355 = tpu.memref_squeeze %dma_wait3A_354 : memref<1x16x1024xf32, #tpu.memory_space<vmem>> -> memref<16x1024xf32, #tpu.memory_space<vmem>>
    %dma_wait3A_356 = arith.constant 0 : i32
    %dma_wait3A_357 = tpu.memref_slice %arg4[%add3A_289, %dma_wait3A_356] : memref<8192x1024xf32, #tpu.memory_space<hbm>> -> memref<16x1024xf32, #tpu.memory_space<hbm>>
    %dma_wait3A_358 = arith.constant 0 : i32
    %dma_wait3A_359 = tpu.memref_slice %arg4[%add3A_289, %dma_wait3A_358] : memref<8192x1024xf32, #tpu.memory_space<hbm>> -> memref<16x1024xf32, #tpu.memory_space<hbm>>
    %dma_wait3A_360 = arith.constant 0 : i32
    %dma_wait3A_361 = arith.constant 0 : i32
    %dma_wait3A_362 = tpu.memref_slice %arg6[%dma_wait3A_351, %dma_wait3A_360, %dma_wait3A_361] : memref<6x16x1024xf32, #tpu.memory_space<vmem>> -> memref<1x16x1024xf32, #tpu.memory_space<vmem>>
    %dma_wait3A_363 = tpu.memref_squeeze %dma_wait3A_362 : memref<1x16x1024xf32, #tpu.memory_space<vmem>> -> memref<16x1024xf32, #tpu.memory_space<vmem>>
    tpu.wait_dma2 semaphore(%arg18 : memref<!tpu.dma_semaphore, #tpu.memory_space<semaphore_mem>>) src(%dma_wait3A_363 : memref<16x1024xf32, #tpu.memory_space<vmem>>) dst(%dma_wait3A_359 : memref<16x1024xf32, #tpu.memory_space<hbm>>)
    %dma_start3A_364 = arith.constant 5 : i32
    %dma_start3A_365 = arith.constant 0 : i32
    %dma_start3A_366 = arith.constant 0 : i32
    %dma_start3A_367 = tpu.memref_slice %arg6[%dma_start3A_364, %dma_start3A_365, %dma_start3A_366] : memref<6x16x1024xf32, #tpu.memory_space<vmem>> -> memref<1x16x1024xf32, #tpu.memory_space<vmem>>
    %dma_start3A_368 = tpu.memref_squeeze %dma_start3A_367 : memref<1x16x1024xf32, #tpu.memory_space<vmem>> -> memref<16x1024xf32, #tpu.memory_space<vmem>>
    %dma_start3A_369 = arith.constant 176 : i32
    %dma_start3A_370 = tpu.memref_slice %arg5[%dma_start3A_369] : memref<256xi32, #tpu.memory_space<vmem>> -> memref<16xi32, #tpu.memory_space<vmem>>
    %dma_start3A_371 = arith.constant 0 : i32
    %dma_start3A_372 = arith.constant 0 : i32
    %dma_start3A_373 = tpu.memref_slice %arg2[%dma_start3A_371, %dma_start3A_372] : memref<32768x1024xf32, #tpu.memory_space<hbm>> -> memref<32768x1024xf32, #tpu.memory_space<hbm>>
    tpu.enqueue_indirect_dma source(%dma_start3A_373 : memref<32768x1024xf32, #tpu.memory_space<hbm>>) target(%dma_start3A_368 : memref<16x1024xf32, #tpu.memory_space<vmem>>) offsets(%dma_start3A_370 : memref<16xi32, #tpu.memory_space<vmem>>) semaphore(%arg12 : memref<!tpu.dma_semaphore, #tpu.memory_space<semaphore_mem>>)
    %dma_wait3A_374 = arith.constant 1 : i32
    %dma_wait3A_375 = arith.constant 0 : i32
    %dma_wait3A_376 = arith.constant 0 : i32
    %dma_wait3A_377 = tpu.memref_slice %arg6[%dma_wait3A_374, %dma_wait3A_375, %dma_wait3A_376] : memref<6x16x1024xf32, #tpu.memory_space<vmem>> -> memref<1x16x1024xf32, #tpu.memory_space<vmem>>
    %dma_wait3A_378 = tpu.memref_squeeze %dma_wait3A_377 : memref<1x16x1024xf32, #tpu.memory_space<vmem>> -> memref<16x1024xf32, #tpu.memory_space<vmem>>
    %dma_wait3A_379 = arith.constant 112 : i32
    %dma_wait3A_380 = tpu.memref_slice %arg5[%dma_wait3A_379] : memref<256xi32, #tpu.memory_space<vmem>> -> memref<16xi32, #tpu.memory_space<vmem>>
    %dma_wait3A_381 = arith.constant 0 : i32
    %dma_wait3A_382 = arith.constant 0 : i32
    %dma_wait3A_383 = tpu.memref_slice %arg2[%dma_wait3A_381, %dma_wait3A_382] : memref<32768x1024xf32, #tpu.memory_space<hbm>> -> memref<32768x1024xf32, #tpu.memory_space<hbm>>
    tpu.wait_indirect_dma semaphore(%arg8 : memref<!tpu.dma_semaphore, #tpu.memory_space<semaphore_mem>>) src(%dma_wait3A_383 : memref<32768x1024xf32, #tpu.memory_space<hbm>>) dst(%dma_wait3A_378 : memref<16x1024xf32, #tpu.memory_space<vmem>>)
    %add3A_384 = arith.constant 112 : i32
    %add3A_385 = arith.addi %mul3A_2, %add3A_384 : i32
    %dma_start3A_386 = arith.constant 1 : i32
    %dma_start3A_387 = arith.constant 0 : i32
    %dma_start3A_388 = arith.constant 0 : i32
    %dma_start3A_389 = tpu.memref_slice %arg6[%dma_start3A_386, %dma_start3A_387, %dma_start3A_388] : memref<6x16x1024xf32, #tpu.memory_space<vmem>> -> memref<1x16x1024xf32, #tpu.memory_space<vmem>>
    %dma_start3A_390 = tpu.memref_squeeze %dma_start3A_389 : memref<1x16x1024xf32, #tpu.memory_space<vmem>> -> memref<16x1024xf32, #tpu.memory_space<vmem>>
    %dma_start3A_391 = arith.constant 0 : i32
    %dma_start3A_392 = tpu.memref_slice %arg4[%add3A_385, %dma_start3A_391] : memref<8192x1024xf32, #tpu.memory_space<hbm>> -> memref<16x1024xf32, #tpu.memory_space<hbm>>
    %dma_start3A_393 = arith.constant 0 : i32
    %dma_start3A_394 = tpu.memref_slice %arg4[%add3A_385, %dma_start3A_393] : memref<8192x1024xf32, #tpu.memory_space<hbm>> -> memref<16x1024xf32, #tpu.memory_space<hbm>>
    %dma_start3A_395 = arith.constant 0 : i32
    %dma_start3A_396 = arith.constant 0 : i32
    %dma_start3A_397 = tpu.memref_slice %arg6[%dma_start3A_386, %dma_start3A_395, %dma_start3A_396] : memref<6x16x1024xf32, #tpu.memory_space<vmem>> -> memref<1x16x1024xf32, #tpu.memory_space<vmem>>
    %dma_start3A_398 = tpu.memref_squeeze %dma_start3A_397 : memref<1x16x1024xf32, #tpu.memory_space<vmem>> -> memref<16x1024xf32, #tpu.memory_space<vmem>>
    tpu.enqueue_dma source(%dma_start3A_398 : memref<16x1024xf32, #tpu.memory_space<vmem>>) target(%dma_start3A_394 : memref<16x1024xf32, #tpu.memory_space<hbm>>) target_semaphore(%arg14 : memref<!tpu.dma_semaphore, #tpu.memory_space<semaphore_mem>>)
    %dma_wait3A_399 = arith.constant 0 : i32
    %dma_wait3A_400 = arith.constant 0 : i32
    %dma_wait3A_401 = arith.constant 0 : i32
    %dma_wait3A_402 = tpu.memref_slice %arg6[%dma_wait3A_399, %dma_wait3A_400, %dma_wait3A_401] : memref<6x16x1024xf32, #tpu.memory_space<vmem>> -> memref<1x16x1024xf32, #tpu.memory_space<vmem>>
    %dma_wait3A_403 = tpu.memref_squeeze %dma_wait3A_402 : memref<1x16x1024xf32, #tpu.memory_space<vmem>> -> memref<16x1024xf32, #tpu.memory_space<vmem>>
    %dma_wait3A_404 = arith.constant 0 : i32
    %dma_wait3A_405 = tpu.memref_slice %arg4[%add3A_337, %dma_wait3A_404] : memref<8192x1024xf32, #tpu.memory_space<hbm>> -> memref<16x1024xf32, #tpu.memory_space<hbm>>
    %dma_wait3A_406 = arith.constant 0 : i32
    %dma_wait3A_407 = tpu.memref_slice %arg4[%add3A_337, %dma_wait3A_406] : memref<8192x1024xf32, #tpu.memory_space<hbm>> -> memref<16x1024xf32, #tpu.memory_space<hbm>>
    %dma_wait3A_408 = arith.constant 0 : i32
    %dma_wait3A_409 = arith.constant 0 : i32
    %dma_wait3A_410 = tpu.memref_slice %arg6[%dma_wait3A_399, %dma_wait3A_408, %dma_wait3A_409] : memref<6x16x1024xf32, #tpu.memory_space<vmem>> -> memref<1x16x1024xf32, #tpu.memory_space<vmem>>
    %dma_wait3A_411 = tpu.memref_squeeze %dma_wait3A_410 : memref<1x16x1024xf32, #tpu.memory_space<vmem>> -> memref<16x1024xf32, #tpu.memory_space<vmem>>
    tpu.wait_dma2 semaphore(%arg13 : memref<!tpu.dma_semaphore, #tpu.memory_space<semaphore_mem>>) src(%dma_wait3A_411 : memref<16x1024xf32, #tpu.memory_space<vmem>>) dst(%dma_wait3A_407 : memref<16x1024xf32, #tpu.memory_space<hbm>>)
    %dma_start3A_412 = arith.constant 0 : i32
    %dma_start3A_413 = arith.constant 0 : i32
    %dma_start3A_414 = arith.constant 0 : i32
    %dma_start3A_415 = tpu.memref_slice %arg6[%dma_start3A_412, %dma_start3A_413, %dma_start3A_414] : memref<6x16x1024xf32, #tpu.memory_space<vmem>> -> memref<1x16x1024xf32, #tpu.memory_space<vmem>>
    %dma_start3A_416 = tpu.memref_squeeze %dma_start3A_415 : memref<1x16x1024xf32, #tpu.memory_space<vmem>> -> memref<16x1024xf32, #tpu.memory_space<vmem>>
    %dma_start3A_417 = arith.constant 192 : i32
    %dma_start3A_418 = tpu.memref_slice %arg5[%dma_start3A_417] : memref<256xi32, #tpu.memory_space<vmem>> -> memref<16xi32, #tpu.memory_space<vmem>>
    %dma_start3A_419 = arith.constant 0 : i32
    %dma_start3A_420 = arith.constant 0 : i32
    %dma_start3A_421 = tpu.memref_slice %arg2[%dma_start3A_419, %dma_start3A_420] : memref<32768x1024xf32, #tpu.memory_space<hbm>> -> memref<32768x1024xf32, #tpu.memory_space<hbm>>
    tpu.enqueue_indirect_dma source(%dma_start3A_421 : memref<32768x1024xf32, #tpu.memory_space<hbm>>) target(%dma_start3A_416 : memref<16x1024xf32, #tpu.memory_space<vmem>>) offsets(%dma_start3A_418 : memref<16xi32, #tpu.memory_space<vmem>>) semaphore(%arg7 : memref<!tpu.dma_semaphore, #tpu.memory_space<semaphore_mem>>)
    %dma_wait3A_422 = arith.constant 2 : i32
    %dma_wait3A_423 = arith.constant 0 : i32
    %dma_wait3A_424 = arith.constant 0 : i32
    %dma_wait3A_425 = tpu.memref_slice %arg6[%dma_wait3A_422, %dma_wait3A_423, %dma_wait3A_424] : memref<6x16x1024xf32, #tpu.memory_space<vmem>> -> memref<1x16x1024xf32, #tpu.memory_space<vmem>>
    %dma_wait3A_426 = tpu.memref_squeeze %dma_wait3A_425 : memref<1x16x1024xf32, #tpu.memory_space<vmem>> -> memref<16x1024xf32, #tpu.memory_space<vmem>>
    %dma_wait3A_427 = arith.constant 128 : i32
    %dma_wait3A_428 = tpu.memref_slice %arg5[%dma_wait3A_427] : memref<256xi32, #tpu.memory_space<vmem>> -> memref<16xi32, #tpu.memory_space<vmem>>
    %dma_wait3A_429 = arith.constant 0 : i32
    %dma_wait3A_430 = arith.constant 0 : i32
    %dma_wait3A_431 = tpu.memref_slice %arg2[%dma_wait3A_429, %dma_wait3A_430] : memref<32768x1024xf32, #tpu.memory_space<hbm>> -> memref<32768x1024xf32, #tpu.memory_space<hbm>>
    tpu.wait_indirect_dma semaphore(%arg9 : memref<!tpu.dma_semaphore, #tpu.memory_space<semaphore_mem>>) src(%dma_wait3A_431 : memref<32768x1024xf32, #tpu.memory_space<hbm>>) dst(%dma_wait3A_426 : memref<16x1024xf32, #tpu.memory_space<vmem>>)
    %add3A_432 = arith.constant 128 : i32
    %add3A_433 = arith.addi %mul3A_2, %add3A_432 : i32
    %dma_start3A_434 = arith.constant 2 : i32
    %dma_start3A_435 = arith.constant 0 : i32
    %dma_start3A_436 = arith.constant 0 : i32
    %dma_start3A_437 = tpu.memref_slice %arg6[%dma_start3A_434, %dma_start3A_435, %dma_start3A_436] : memref<6x16x1024xf32, #tpu.memory_space<vmem>> -> memref<1x16x1024xf32, #tpu.memory_space<vmem>>
    %dma_start3A_438 = tpu.memref_squeeze %dma_start3A_437 : memref<1x16x1024xf32, #tpu.memory_space<vmem>> -> memref<16x1024xf32, #tpu.memory_space<vmem>>
    %dma_start3A_439 = arith.constant 0 : i32
    %dma_start3A_440 = tpu.memref_slice %arg4[%add3A_433, %dma_start3A_439] : memref<8192x1024xf32, #tpu.memory_space<hbm>> -> memref<16x1024xf32, #tpu.memory_space<hbm>>
    %dma_start3A_441 = arith.constant 0 : i32
    %dma_start3A_442 = tpu.memref_slice %arg4[%add3A_433, %dma_start3A_441] : memref<8192x1024xf32, #tpu.memory_space<hbm>> -> memref<16x1024xf32, #tpu.memory_space<hbm>>
    %dma_start3A_443 = arith.constant 0 : i32
    %dma_start3A_444 = arith.constant 0 : i32
    %dma_start3A_445 = tpu.memref_slice %arg6[%dma_start3A_434, %dma_start3A_443, %dma_start3A_444] : memref<6x16x1024xf32, #tpu.memory_space<vmem>> -> memref<1x16x1024xf32, #tpu.memory_space<vmem>>
    %dma_start3A_446 = tpu.memref_squeeze %dma_start3A_445 : memref<1x16x1024xf32, #tpu.memory_space<vmem>> -> memref<16x1024xf32, #tpu.memory_space<vmem>>
    tpu.enqueue_dma source(%dma_start3A_446 : memref<16x1024xf32, #tpu.memory_space<vmem>>) target(%dma_start3A_442 : memref<16x1024xf32, #tpu.memory_space<hbm>>) target_semaphore(%arg15 : memref<!tpu.dma_semaphore, #tpu.memory_space<semaphore_mem>>)
    %dma_wait3A_447 = arith.constant 1 : i32
    %dma_wait3A_448 = arith.constant 0 : i32
    %dma_wait3A_449 = arith.constant 0 : i32
    %dma_wait3A_450 = tpu.memref_slice %arg6[%dma_wait3A_447, %dma_wait3A_448, %dma_wait3A_449] : memref<6x16x1024xf32, #tpu.memory_space<vmem>> -> memref<1x16x1024xf32, #tpu.memory_space<vmem>>
    %dma_wait3A_451 = tpu.memref_squeeze %dma_wait3A_450 : memref<1x16x1024xf32, #tpu.memory_space<vmem>> -> memref<16x1024xf32, #tpu.memory_space<vmem>>
    %dma_wait3A_452 = arith.constant 0 : i32
    %dma_wait3A_453 = tpu.memref_slice %arg4[%add3A_385, %dma_wait3A_452] : memref<8192x1024xf32, #tpu.memory_space<hbm>> -> memref<16x1024xf32, #tpu.memory_space<hbm>>
    %dma_wait3A_454 = arith.constant 0 : i32
    %dma_wait3A_455 = tpu.memref_slice %arg4[%add3A_385, %dma_wait3A_454] : memref<8192x1024xf32, #tpu.memory_space<hbm>> -> memref<16x1024xf32, #tpu.memory_space<hbm>>
    %dma_wait3A_456 = arith.constant 0 : i32
    %dma_wait3A_457 = arith.constant 0 : i32
    %dma_wait3A_458 = tpu.memref_slice %arg6[%dma_wait3A_447, %dma_wait3A_456, %dma_wait3A_457] : memref<6x16x1024xf32, #tpu.memory_space<vmem>> -> memref<1x16x1024xf32, #tpu.memory_space<vmem>>
    %dma_wait3A_459 = tpu.memref_squeeze %dma_wait3A_458 : memref<1x16x1024xf32, #tpu.memory_space<vmem>> -> memref<16x1024xf32, #tpu.memory_space<vmem>>
    tpu.wait_dma2 semaphore(%arg14 : memref<!tpu.dma_semaphore, #tpu.memory_space<semaphore_mem>>) src(%dma_wait3A_459 : memref<16x1024xf32, #tpu.memory_space<vmem>>) dst(%dma_wait3A_455 : memref<16x1024xf32, #tpu.memory_space<hbm>>)
    %dma_start3A_460 = arith.constant 1 : i32
    %dma_start3A_461 = arith.constant 0 : i32
    %dma_start3A_462 = arith.constant 0 : i32
    %dma_start3A_463 = tpu.memref_slice %arg6[%dma_start3A_460, %dma_start3A_461, %dma_start3A_462] : memref<6x16x1024xf32, #tpu.memory_space<vmem>> -> memref<1x16x1024xf32, #tpu.memory_space<vmem>>
    %dma_start3A_464 = tpu.memref_squeeze %dma_start3A_463 : memref<1x16x1024xf32, #tpu.memory_space<vmem>> -> memref<16x1024xf32, #tpu.memory_space<vmem>>
    %dma_start3A_465 = arith.constant 208 : i32
    %dma_start3A_466 = tpu.memref_slice %arg5[%dma_start3A_465] : memref<256xi32, #tpu.memory_space<vmem>> -> memref<16xi32, #tpu.memory_space<vmem>>
    %dma_start3A_467 = arith.constant 0 : i32
    %dma_start3A_468 = arith.constant 0 : i32
    %dma_start3A_469 = tpu.memref_slice %arg2[%dma_start3A_467, %dma_start3A_468] : memref<32768x1024xf32, #tpu.memory_space<hbm>> -> memref<32768x1024xf32, #tpu.memory_space<hbm>>
    tpu.enqueue_indirect_dma source(%dma_start3A_469 : memref<32768x1024xf32, #tpu.memory_space<hbm>>) target(%dma_start3A_464 : memref<16x1024xf32, #tpu.memory_space<vmem>>) offsets(%dma_start3A_466 : memref<16xi32, #tpu.memory_space<vmem>>) semaphore(%arg8 : memref<!tpu.dma_semaphore, #tpu.memory_space<semaphore_mem>>)
    %dma_wait3A_470 = arith.constant 3 : i32
    %dma_wait3A_471 = arith.constant 0 : i32
    %dma_wait3A_472 = arith.constant 0 : i32
    %dma_wait3A_473 = tpu.memref_slice %arg6[%dma_wait3A_470, %dma_wait3A_471, %dma_wait3A_472] : memref<6x16x1024xf32, #tpu.memory_space<vmem>> -> memref<1x16x1024xf32, #tpu.memory_space<vmem>>
    %dma_wait3A_474 = tpu.memref_squeeze %dma_wait3A_473 : memref<1x16x1024xf32, #tpu.memory_space<vmem>> -> memref<16x1024xf32, #tpu.memory_space<vmem>>
    %dma_wait3A_475 = arith.constant 144 : i32
    %dma_wait3A_476 = tpu.memref_slice %arg5[%dma_wait3A_475] : memref<256xi32, #tpu.memory_space<vmem>> -> memref<16xi32, #tpu.memory_space<vmem>>
    %dma_wait3A_477 = arith.constant 0 : i32
    %dma_wait3A_478 = arith.constant 0 : i32
    %dma_wait3A_479 = tpu.memref_slice %arg2[%dma_wait3A_477, %dma_wait3A_478] : memref<32768x1024xf32, #tpu.memory_space<hbm>> -> memref<32768x1024xf32, #tpu.memory_space<hbm>>
    tpu.wait_indirect_dma semaphore(%arg10 : memref<!tpu.dma_semaphore, #tpu.memory_space<semaphore_mem>>) src(%dma_wait3A_479 : memref<32768x1024xf32, #tpu.memory_space<hbm>>) dst(%dma_wait3A_474 : memref<16x1024xf32, #tpu.memory_space<vmem>>)
    %add3A_480 = arith.constant 144 : i32
    %add3A_481 = arith.addi %mul3A_2, %add3A_480 : i32
    %dma_start3A_482 = arith.constant 3 : i32
    %dma_start3A_483 = arith.constant 0 : i32
    %dma_start3A_484 = arith.constant 0 : i32
    %dma_start3A_485 = tpu.memref_slice %arg6[%dma_start3A_482, %dma_start3A_483, %dma_start3A_484] : memref<6x16x1024xf32, #tpu.memory_space<vmem>> -> memref<1x16x1024xf32, #tpu.memory_space<vmem>>
    %dma_start3A_486 = tpu.memref_squeeze %dma_start3A_485 : memref<1x16x1024xf32, #tpu.memory_space<vmem>> -> memref<16x1024xf32, #tpu.memory_space<vmem>>
    %dma_start3A_487 = arith.constant 0 : i32
    %dma_start3A_488 = tpu.memref_slice %arg4[%add3A_481, %dma_start3A_487] : memref<8192x1024xf32, #tpu.memory_space<hbm>> -> memref<16x1024xf32, #tpu.memory_space<hbm>>
    %dma_start3A_489 = arith.constant 0 : i32
    %dma_start3A_490 = tpu.memref_slice %arg4[%add3A_481, %dma_start3A_489] : memref<8192x1024xf32, #tpu.memory_space<hbm>> -> memref<16x1024xf32, #tpu.memory_space<hbm>>
    %dma_start3A_491 = arith.constant 0 : i32
    %dma_start3A_492 = arith.constant 0 : i32
    %dma_start3A_493 = tpu.memref_slice %arg6[%dma_start3A_482, %dma_start3A_491, %dma_start3A_492] : memref<6x16x1024xf32, #tpu.memory_space<vmem>> -> memref<1x16x1024xf32, #tpu.memory_space<vmem>>
    %dma_start3A_494 = tpu.memref_squeeze %dma_start3A_493 : memref<1x16x1024xf32, #tpu.memory_space<vmem>> -> memref<16x1024xf32, #tpu.memory_space<vmem>>
    tpu.enqueue_dma source(%dma_start3A_494 : memref<16x1024xf32, #tpu.memory_space<vmem>>) target(%dma_start3A_490 : memref<16x1024xf32, #tpu.memory_space<hbm>>) target_semaphore(%arg16 : memref<!tpu.dma_semaphore, #tpu.memory_space<semaphore_mem>>)
    %dma_wait3A_495 = arith.constant 2 : i32
    %dma_wait3A_496 = arith.constant 0 : i32
    %dma_wait3A_497 = arith.constant 0 : i32
    %dma_wait3A_498 = tpu.memref_slice %arg6[%dma_wait3A_495, %dma_wait3A_496, %dma_wait3A_497] : memref<6x16x1024xf32, #tpu.memory_space<vmem>> -> memref<1x16x1024xf32, #tpu.memory_space<vmem>>
    %dma_wait3A_499 = tpu.memref_squeeze %dma_wait3A_498 : memref<1x16x1024xf32, #tpu.memory_space<vmem>> -> memref<16x1024xf32, #tpu.memory_space<vmem>>
    %dma_wait3A_500 = arith.constant 0 : i32
    %dma_wait3A_501 = tpu.memref_slice %arg4[%add3A_433, %dma_wait3A_500] : memref<8192x1024xf32, #tpu.memory_space<hbm>> -> memref<16x1024xf32, #tpu.memory_space<hbm>>
    %dma_wait3A_502 = arith.constant 0 : i32
    %dma_wait3A_503 = tpu.memref_slice %arg4[%add3A_433, %dma_wait3A_502] : memref<8192x1024xf32, #tpu.memory_space<hbm>> -> memref<16x1024xf32, #tpu.memory_space<hbm>>
    %dma_wait3A_504 = arith.constant 0 : i32
    %dma_wait3A_505 = arith.constant 0 : i32
    %dma_wait3A_506 = tpu.memref_slice %arg6[%dma_wait3A_495, %dma_wait3A_504, %dma_wait3A_505] : memref<6x16x1024xf32, #tpu.memory_space<vmem>> -> memref<1x16x1024xf32, #tpu.memory_space<vmem>>
    %dma_wait3A_507 = tpu.memref_squeeze %dma_wait3A_506 : memref<1x16x1024xf32, #tpu.memory_space<vmem>> -> memref<16x1024xf32, #tpu.memory_space<vmem>>
    tpu.wait_dma2 semaphore(%arg15 : memref<!tpu.dma_semaphore, #tpu.memory_space<semaphore_mem>>) src(%dma_wait3A_507 : memref<16x1024xf32, #tpu.memory_space<vmem>>) dst(%dma_wait3A_503 : memref<16x1024xf32, #tpu.memory_space<hbm>>)
    %dma_start3A_508 = arith.constant 2 : i32
    %dma_start3A_509 = arith.constant 0 : i32
    %dma_start3A_510 = arith.constant 0 : i32
    %dma_start3A_511 = tpu.memref_slice %arg6[%dma_start3A_508, %dma_start3A_509, %dma_start3A_510] : memref<6x16x1024xf32, #tpu.memory_space<vmem>> -> memref<1x16x1024xf32, #tpu.memory_space<vmem>>
    %dma_start3A_512 = tpu.memref_squeeze %dma_start3A_511 : memref<1x16x1024xf32, #tpu.memory_space<vmem>> -> memref<16x1024xf32, #tpu.memory_space<vmem>>
    %dma_start3A_513 = arith.constant 224 : i32
    %dma_start3A_514 = tpu.memref_slice %arg5[%dma_start3A_513] : memref<256xi32, #tpu.memory_space<vmem>> -> memref<16xi32, #tpu.memory_space<vmem>>
    %dma_start3A_515 = arith.constant 0 : i32
    %dma_start3A_516 = arith.constant 0 : i32
    %dma_start3A_517 = tpu.memref_slice %arg2[%dma_start3A_515, %dma_start3A_516] : memref<32768x1024xf32, #tpu.memory_space<hbm>> -> memref<32768x1024xf32, #tpu.memory_space<hbm>>
    tpu.enqueue_indirect_dma source(%dma_start3A_517 : memref<32768x1024xf32, #tpu.memory_space<hbm>>) target(%dma_start3A_512 : memref<16x1024xf32, #tpu.memory_space<vmem>>) offsets(%dma_start3A_514 : memref<16xi32, #tpu.memory_space<vmem>>) semaphore(%arg9 : memref<!tpu.dma_semaphore, #tpu.memory_space<semaphore_mem>>)
    %dma_wait3A_518 = arith.constant 4 : i32
    %dma_wait3A_519 = arith.constant 0 : i32
    %dma_wait3A_520 = arith.constant 0 : i32
    %dma_wait3A_521 = tpu.memref_slice %arg6[%dma_wait3A_518, %dma_wait3A_519, %dma_wait3A_520] : memref<6x16x1024xf32, #tpu.memory_space<vmem>> -> memref<1x16x1024xf32, #tpu.memory_space<vmem>>
    %dma_wait3A_522 = tpu.memref_squeeze %dma_wait3A_521 : memref<1x16x1024xf32, #tpu.memory_space<vmem>> -> memref<16x1024xf32, #tpu.memory_space<vmem>>
    %dma_wait3A_523 = arith.constant 160 : i32
    %dma_wait3A_524 = tpu.memref_slice %arg5[%dma_wait3A_523] : memref<256xi32, #tpu.memory_space<vmem>> -> memref<16xi32, #tpu.memory_space<vmem>>
    %dma_wait3A_525 = arith.constant 0 : i32
    %dma_wait3A_526 = arith.constant 0 : i32
    %dma_wait3A_527 = tpu.memref_slice %arg2[%dma_wait3A_525, %dma_wait3A_526] : memref<32768x1024xf32, #tpu.memory_space<hbm>> -> memref<32768x1024xf32, #tpu.memory_space<hbm>>
    tpu.wait_indirect_dma semaphore(%arg11 : memref<!tpu.dma_semaphore, #tpu.memory_space<semaphore_mem>>) src(%dma_wait3A_527 : memref<32768x1024xf32, #tpu.memory_space<hbm>>) dst(%dma_wait3A_522 : memref<16x1024xf32, #tpu.memory_space<vmem>>)
    %add3A_528 = arith.constant 160 : i32
    %add3A_529 = arith.addi %mul3A_2, %add3A_528 : i32
    %dma_start3A_530 = arith.constant 4 : i32
    %dma_start3A_531 = arith.constant 0 : i32
    %dma_start3A_532 = arith.constant 0 : i32
    %dma_start3A_533 = tpu.memref_slice %arg6[%dma_start3A_530, %dma_start3A_531, %dma_start3A_532] : memref<6x16x1024xf32, #tpu.memory_space<vmem>> -> memref<1x16x1024xf32, #tpu.memory_space<vmem>>
    %dma_start3A_534 = tpu.memref_squeeze %dma_start3A_533 : memref<1x16x1024xf32, #tpu.memory_space<vmem>> -> memref<16x1024xf32, #tpu.memory_space<vmem>>
    %dma_start3A_535 = arith.constant 0 : i32
    %dma_start3A_536 = tpu.memref_slice %arg4[%add3A_529, %dma_start3A_535] : memref<8192x1024xf32, #tpu.memory_space<hbm>> -> memref<16x1024xf32, #tpu.memory_space<hbm>>
    %dma_start3A_537 = arith.constant 0 : i32
    %dma_start3A_538 = tpu.memref_slice %arg4[%add3A_529, %dma_start3A_537] : memref<8192x1024xf32, #tpu.memory_space<hbm>> -> memref<16x1024xf32, #tpu.memory_space<hbm>>
    %dma_start3A_539 = arith.constant 0 : i32
    %dma_start3A_540 = arith.constant 0 : i32
    %dma_start3A_541 = tpu.memref_slice %arg6[%dma_start3A_530, %dma_start3A_539, %dma_start3A_540] : memref<6x16x1024xf32, #tpu.memory_space<vmem>> -> memref<1x16x1024xf32, #tpu.memory_space<vmem>>
    %dma_start3A_542 = tpu.memref_squeeze %dma_start3A_541 : memref<1x16x1024xf32, #tpu.memory_space<vmem>> -> memref<16x1024xf32, #tpu.memory_space<vmem>>
    tpu.enqueue_dma source(%dma_start3A_542 : memref<16x1024xf32, #tpu.memory_space<vmem>>) target(%dma_start3A_538 : memref<16x1024xf32, #tpu.memory_space<hbm>>) target_semaphore(%arg17 : memref<!tpu.dma_semaphore, #tpu.memory_space<semaphore_mem>>)
    %dma_wait3A_543 = arith.constant 3 : i32
    %dma_wait3A_544 = arith.constant 0 : i32
    %dma_wait3A_545 = arith.constant 0 : i32
    %dma_wait3A_546 = tpu.memref_slice %arg6[%dma_wait3A_543, %dma_wait3A_544, %dma_wait3A_545] : memref<6x16x1024xf32, #tpu.memory_space<vmem>> -> memref<1x16x1024xf32, #tpu.memory_space<vmem>>
    %dma_wait3A_547 = tpu.memref_squeeze %dma_wait3A_546 : memref<1x16x1024xf32, #tpu.memory_space<vmem>> -> memref<16x1024xf32, #tpu.memory_space<vmem>>
    %dma_wait3A_548 = arith.constant 0 : i32
    %dma_wait3A_549 = tpu.memref_slice %arg4[%add3A_481, %dma_wait3A_548] : memref<8192x1024xf32, #tpu.memory_space<hbm>> -> memref<16x1024xf32, #tpu.memory_space<hbm>>
    %dma_wait3A_550 = arith.constant 0 : i32
    %dma_wait3A_551 = tpu.memref_slice %arg4[%add3A_481, %dma_wait3A_550] : memref<8192x1024xf32, #tpu.memory_space<hbm>> -> memref<16x1024xf32, #tpu.memory_space<hbm>>
    %dma_wait3A_552 = arith.constant 0 : i32
    %dma_wait3A_553 = arith.constant 0 : i32
    %dma_wait3A_554 = tpu.memref_slice %arg6[%dma_wait3A_543, %dma_wait3A_552, %dma_wait3A_553] : memref<6x16x1024xf32, #tpu.memory_space<vmem>> -> memref<1x16x1024xf32, #tpu.memory_space<vmem>>
    %dma_wait3A_555 = tpu.memref_squeeze %dma_wait3A_554 : memref<1x16x1024xf32, #tpu.memory_space<vmem>> -> memref<16x1024xf32, #tpu.memory_space<vmem>>
    tpu.wait_dma2 semaphore(%arg16 : memref<!tpu.dma_semaphore, #tpu.memory_space<semaphore_mem>>) src(%dma_wait3A_555 : memref<16x1024xf32, #tpu.memory_space<vmem>>) dst(%dma_wait3A_551 : memref<16x1024xf32, #tpu.memory_space<hbm>>)
    %dma_start3A_556 = arith.constant 3 : i32
    %dma_start3A_557 = arith.constant 0 : i32
    %dma_start3A_558 = arith.constant 0 : i32
    %dma_start3A_559 = tpu.memref_slice %arg6[%dma_start3A_556, %dma_start3A_557, %dma_start3A_558] : memref<6x16x1024xf32, #tpu.memory_space<vmem>> -> memref<1x16x1024xf32, #tpu.memory_space<vmem>>
    %dma_start3A_560 = tpu.memref_squeeze %dma_start3A_559 : memref<1x16x1024xf32, #tpu.memory_space<vmem>> -> memref<16x1024xf32, #tpu.memory_space<vmem>>
    %dma_start3A_561 = arith.constant 240 : i32
    %dma_start3A_562 = tpu.memref_slice %arg5[%dma_start3A_561] : memref<256xi32, #tpu.memory_space<vmem>> -> memref<16xi32, #tpu.memory_space<vmem>>
    %dma_start3A_563 = arith.constant 0 : i32
    %dma_start3A_564 = arith.constant 0 : i32
    %dma_start3A_565 = tpu.memref_slice %arg2[%dma_start3A_563, %dma_start3A_564] : memref<32768x1024xf32, #tpu.memory_space<hbm>> -> memref<32768x1024xf32, #tpu.memory_space<hbm>>
    tpu.enqueue_indirect_dma source(%dma_start3A_565 : memref<32768x1024xf32, #tpu.memory_space<hbm>>) target(%dma_start3A_560 : memref<16x1024xf32, #tpu.memory_space<vmem>>) offsets(%dma_start3A_562 : memref<16xi32, #tpu.memory_space<vmem>>) semaphore(%arg10 : memref<!tpu.dma_semaphore, #tpu.memory_space<semaphore_mem>>)
    %dma_wait3A_566 = arith.constant 5 : i32
    %dma_wait3A_567 = arith.constant 0 : i32
    %dma_wait3A_568 = arith.constant 0 : i32
    %dma_wait3A_569 = tpu.memref_slice %arg6[%dma_wait3A_566, %dma_wait3A_567, %dma_wait3A_568] : memref<6x16x1024xf32, #tpu.memory_space<vmem>> -> memref<1x16x1024xf32, #tpu.memory_space<vmem>>
    %dma_wait3A_570 = tpu.memref_squeeze %dma_wait3A_569 : memref<1x16x1024xf32, #tpu.memory_space<vmem>> -> memref<16x1024xf32, #tpu.memory_space<vmem>>
    %dma_wait3A_571 = arith.constant 176 : i32
    %dma_wait3A_572 = tpu.memref_slice %arg5[%dma_wait3A_571] : memref<256xi32, #tpu.memory_space<vmem>> -> memref<16xi32, #tpu.memory_space<vmem>>
    %dma_wait3A_573 = arith.constant 0 : i32
    %dma_wait3A_574 = arith.constant 0 : i32
    %dma_wait3A_575 = tpu.memref_slice %arg2[%dma_wait3A_573, %dma_wait3A_574] : memref<32768x1024xf32, #tpu.memory_space<hbm>> -> memref<32768x1024xf32, #tpu.memory_space<hbm>>
    tpu.wait_indirect_dma semaphore(%arg12 : memref<!tpu.dma_semaphore, #tpu.memory_space<semaphore_mem>>) src(%dma_wait3A_575 : memref<32768x1024xf32, #tpu.memory_space<hbm>>) dst(%dma_wait3A_570 : memref<16x1024xf32, #tpu.memory_space<vmem>>)
    %add3A_576 = arith.constant 176 : i32
    %add3A_577 = arith.addi %mul3A_2, %add3A_576 : i32
    %dma_start3A_578 = arith.constant 5 : i32
    %dma_start3A_579 = arith.constant 0 : i32
    %dma_start3A_580 = arith.constant 0 : i32
    %dma_start3A_581 = tpu.memref_slice %arg6[%dma_start3A_578, %dma_start3A_579, %dma_start3A_580] : memref<6x16x1024xf32, #tpu.memory_space<vmem>> -> memref<1x16x1024xf32, #tpu.memory_space<vmem>>
    %dma_start3A_582 = tpu.memref_squeeze %dma_start3A_581 : memref<1x16x1024xf32, #tpu.memory_space<vmem>> -> memref<16x1024xf32, #tpu.memory_space<vmem>>
    %dma_start3A_583 = arith.constant 0 : i32
    %dma_start3A_584 = tpu.memref_slice %arg4[%add3A_577, %dma_start3A_583] : memref<8192x1024xf32, #tpu.memory_space<hbm>> -> memref<16x1024xf32, #tpu.memory_space<hbm>>
    %dma_start3A_585 = arith.constant 0 : i32
    %dma_start3A_586 = tpu.memref_slice %arg4[%add3A_577, %dma_start3A_585] : memref<8192x1024xf32, #tpu.memory_space<hbm>> -> memref<16x1024xf32, #tpu.memory_space<hbm>>
    %dma_start3A_587 = arith.constant 0 : i32
    %dma_start3A_588 = arith.constant 0 : i32
    %dma_start3A_589 = tpu.memref_slice %arg6[%dma_start3A_578, %dma_start3A_587, %dma_start3A_588] : memref<6x16x1024xf32, #tpu.memory_space<vmem>> -> memref<1x16x1024xf32, #tpu.memory_space<vmem>>
    %dma_start3A_590 = tpu.memref_squeeze %dma_start3A_589 : memref<1x16x1024xf32, #tpu.memory_space<vmem>> -> memref<16x1024xf32, #tpu.memory_space<vmem>>
    tpu.enqueue_dma source(%dma_start3A_590 : memref<16x1024xf32, #tpu.memory_space<vmem>>) target(%dma_start3A_586 : memref<16x1024xf32, #tpu.memory_space<hbm>>) target_semaphore(%arg18 : memref<!tpu.dma_semaphore, #tpu.memory_space<semaphore_mem>>)
    %dma_wait3A_591 = arith.constant 4 : i32
    %dma_wait3A_592 = arith.constant 0 : i32
    %dma_wait3A_593 = arith.constant 0 : i32
    %dma_wait3A_594 = tpu.memref_slice %arg6[%dma_wait3A_591, %dma_wait3A_592, %dma_wait3A_593] : memref<6x16x1024xf32, #tpu.memory_space<vmem>> -> memref<1x16x1024xf32, #tpu.memory_space<vmem>>
    %dma_wait3A_595 = tpu.memref_squeeze %dma_wait3A_594 : memref<1x16x1024xf32, #tpu.memory_space<vmem>> -> memref<16x1024xf32, #tpu.memory_space<vmem>>
    %dma_wait3A_596 = arith.constant 0 : i32
    %dma_wait3A_597 = tpu.memref_slice %arg4[%add3A_529, %dma_wait3A_596] : memref<8192x1024xf32, #tpu.memory_space<hbm>> -> memref<16x1024xf32, #tpu.memory_space<hbm>>
    %dma_wait3A_598 = arith.constant 0 : i32
    %dma_wait3A_599 = tpu.memref_slice %arg4[%add3A_529, %dma_wait3A_598] : memref<8192x1024xf32, #tpu.memory_space<hbm>> -> memref<16x1024xf32, #tpu.memory_space<hbm>>
    %dma_wait3A_600 = arith.constant 0 : i32
    %dma_wait3A_601 = arith.constant 0 : i32
    %dma_wait3A_602 = tpu.memref_slice %arg6[%dma_wait3A_591, %dma_wait3A_600, %dma_wait3A_601] : memref<6x16x1024xf32, #tpu.memory_space<vmem>> -> memref<1x16x1024xf32, #tpu.memory_space<vmem>>
    %dma_wait3A_603 = tpu.memref_squeeze %dma_wait3A_602 : memref<1x16x1024xf32, #tpu.memory_space<vmem>> -> memref<16x1024xf32, #tpu.memory_space<vmem>>
    tpu.wait_dma2 semaphore(%arg17 : memref<!tpu.dma_semaphore, #tpu.memory_space<semaphore_mem>>) src(%dma_wait3A_603 : memref<16x1024xf32, #tpu.memory_space<vmem>>) dst(%dma_wait3A_599 : memref<16x1024xf32, #tpu.memory_space<hbm>>)
    %dma_wait3A_604 = arith.constant 0 : i32
    %dma_wait3A_605 = arith.constant 0 : i32
    %dma_wait3A_606 = arith.constant 0 : i32
    %dma_wait3A_607 = tpu.memref_slice %arg6[%dma_wait3A_604, %dma_wait3A_605, %dma_wait3A_606] : memref<6x16x1024xf32, #tpu.memory_space<vmem>> -> memref<1x16x1024xf32, #tpu.memory_space<vmem>>
    %dma_wait3A_608 = tpu.memref_squeeze %dma_wait3A_607 : memref<1x16x1024xf32, #tpu.memory_space<vmem>> -> memref<16x1024xf32, #tpu.memory_space<vmem>>
    %dma_wait3A_609 = arith.constant 192 : i32
    %dma_wait3A_610 = tpu.memref_slice %arg5[%dma_wait3A_609] : memref<256xi32, #tpu.memory_space<vmem>> -> memref<16xi32, #tpu.memory_space<vmem>>
    %dma_wait3A_611 = arith.constant 0 : i32
    %dma_wait3A_612 = arith.constant 0 : i32
    %dma_wait3A_613 = tpu.memref_slice %arg2[%dma_wait3A_611, %dma_wait3A_612] : memref<32768x1024xf32, #tpu.memory_space<hbm>> -> memref<32768x1024xf32, #tpu.memory_space<hbm>>
    tpu.wait_indirect_dma semaphore(%arg7 : memref<!tpu.dma_semaphore, #tpu.memory_space<semaphore_mem>>) src(%dma_wait3A_613 : memref<32768x1024xf32, #tpu.memory_space<hbm>>) dst(%dma_wait3A_608 : memref<16x1024xf32, #tpu.memory_space<vmem>>)
    %add3A_614 = arith.constant 192 : i32
    %add3A_615 = arith.addi %mul3A_2, %add3A_614 : i32
    %dma_start3A_616 = arith.constant 0 : i32
    %dma_start3A_617 = arith.constant 0 : i32
    %dma_start3A_618 = arith.constant 0 : i32
    %dma_start3A_619 = tpu.memref_slice %arg6[%dma_start3A_616, %dma_start3A_617, %dma_start3A_618] : memref<6x16x1024xf32, #tpu.memory_space<vmem>> -> memref<1x16x1024xf32, #tpu.memory_space<vmem>>
    %dma_start3A_620 = tpu.memref_squeeze %dma_start3A_619 : memref<1x16x1024xf32, #tpu.memory_space<vmem>> -> memref<16x1024xf32, #tpu.memory_space<vmem>>
    %dma_start3A_621 = arith.constant 0 : i32
    %dma_start3A_622 = tpu.memref_slice %arg4[%add3A_615, %dma_start3A_621] : memref<8192x1024xf32, #tpu.memory_space<hbm>> -> memref<16x1024xf32, #tpu.memory_space<hbm>>
    %dma_start3A_623 = arith.constant 0 : i32
    %dma_start3A_624 = tpu.memref_slice %arg4[%add3A_615, %dma_start3A_623] : memref<8192x1024xf32, #tpu.memory_space<hbm>> -> memref<16x1024xf32, #tpu.memory_space<hbm>>
    %dma_start3A_625 = arith.constant 0 : i32
    %dma_start3A_626 = arith.constant 0 : i32
    %dma_start3A_627 = tpu.memref_slice %arg6[%dma_start3A_616, %dma_start3A_625, %dma_start3A_626] : memref<6x16x1024xf32, #tpu.memory_space<vmem>> -> memref<1x16x1024xf32, #tpu.memory_space<vmem>>
    %dma_start3A_628 = tpu.memref_squeeze %dma_start3A_627 : memref<1x16x1024xf32, #tpu.memory_space<vmem>> -> memref<16x1024xf32, #tpu.memory_space<vmem>>
    tpu.enqueue_dma source(%dma_start3A_628 : memref<16x1024xf32, #tpu.memory_space<vmem>>) target(%dma_start3A_624 : memref<16x1024xf32, #tpu.memory_space<hbm>>) target_semaphore(%arg13 : memref<!tpu.dma_semaphore, #tpu.memory_space<semaphore_mem>>)
    %dma_wait3A_629 = arith.constant 5 : i32
    %dma_wait3A_630 = arith.constant 0 : i32
    %dma_wait3A_631 = arith.constant 0 : i32
    %dma_wait3A_632 = tpu.memref_slice %arg6[%dma_wait3A_629, %dma_wait3A_630, %dma_wait3A_631] : memref<6x16x1024xf32, #tpu.memory_space<vmem>> -> memref<1x16x1024xf32, #tpu.memory_space<vmem>>
    %dma_wait3A_633 = tpu.memref_squeeze %dma_wait3A_632 : memref<1x16x1024xf32, #tpu.memory_space<vmem>> -> memref<16x1024xf32, #tpu.memory_space<vmem>>
    %dma_wait3A_634 = arith.constant 0 : i32
    %dma_wait3A_635 = tpu.memref_slice %arg4[%add3A_577, %dma_wait3A_634] : memref<8192x1024xf32, #tpu.memory_space<hbm>> -> memref<16x1024xf32, #tpu.memory_space<hbm>>
    %dma_wait3A_636 = arith.constant 0 : i32
    %dma_wait3A_637 = tpu.memref_slice %arg4[%add3A_577, %dma_wait3A_636] : memref<8192x1024xf32, #tpu.memory_space<hbm>> -> memref<16x1024xf32, #tpu.memory_space<hbm>>
    %dma_wait3A_638 = arith.constant 0 : i32
    %dma_wait3A_639 = arith.constant 0 : i32
    %dma_wait3A_640 = tpu.memref_slice %arg6[%dma_wait3A_629, %dma_wait3A_638, %dma_wait3A_639] : memref<6x16x1024xf32, #tpu.memory_space<vmem>> -> memref<1x16x1024xf32, #tpu.memory_space<vmem>>
    %dma_wait3A_641 = tpu.memref_squeeze %dma_wait3A_640 : memref<1x16x1024xf32, #tpu.memory_space<vmem>> -> memref<16x1024xf32, #tpu.memory_space<vmem>>
    tpu.wait_dma2 semaphore(%arg18 : memref<!tpu.dma_semaphore, #tpu.memory_space<semaphore_mem>>) src(%dma_wait3A_641 : memref<16x1024xf32, #tpu.memory_space<vmem>>) dst(%dma_wait3A_637 : memref<16x1024xf32, #tpu.memory_space<hbm>>)
    %dma_wait3A_642 = arith.constant 1 : i32
    %dma_wait3A_643 = arith.constant 0 : i32
    %dma_wait3A_644 = arith.constant 0 : i32
    %dma_wait3A_645 = tpu.memref_slice %arg6[%dma_wait3A_642, %dma_wait3A_643, %dma_wait3A_644] : memref<6x16x1024xf32, #tpu.memory_space<vmem>> -> memref<1x16x1024xf32, #tpu.memory_space<vmem>>
    %dma_wait3A_646 = tpu.memref_squeeze %dma_wait3A_645 : memref<1x16x1024xf32, #tpu.memory_space<vmem>> -> memref<16x1024xf32, #tpu.memory_space<vmem>>
    %dma_wait3A_647 = arith.constant 208 : i32
    %dma_wait3A_648 = tpu.memref_slice %arg5[%dma_wait3A_647] : memref<256xi32, #tpu.memory_space<vmem>> -> memref<16xi32, #tpu.memory_space<vmem>>
    %dma_wait3A_649 = arith.constant 0 : i32
    %dma_wait3A_650 = arith.constant 0 : i32
    %dma_wait3A_651 = tpu.memref_slice %arg2[%dma_wait3A_649, %dma_wait3A_650] : memref<32768x1024xf32, #tpu.memory_space<hbm>> -> memref<32768x1024xf32, #tpu.memory_space<hbm>>
    tpu.wait_indirect_dma semaphore(%arg8 : memref<!tpu.dma_semaphore, #tpu.memory_space<semaphore_mem>>) src(%dma_wait3A_651 : memref<32768x1024xf32, #tpu.memory_space<hbm>>) dst(%dma_wait3A_646 : memref<16x1024xf32, #tpu.memory_space<vmem>>)
    %add3A_652 = arith.constant 208 : i32
    %add3A_653 = arith.addi %mul3A_2, %add3A_652 : i32
    %dma_start3A_654 = arith.constant 1 : i32
    %dma_start3A_655 = arith.constant 0 : i32
    %dma_start3A_656 = arith.constant 0 : i32
    %dma_start3A_657 = tpu.memref_slice %arg6[%dma_start3A_654, %dma_start3A_655, %dma_start3A_656] : memref<6x16x1024xf32, #tpu.memory_space<vmem>> -> memref<1x16x1024xf32, #tpu.memory_space<vmem>>
    %dma_start3A_658 = tpu.memref_squeeze %dma_start3A_657 : memref<1x16x1024xf32, #tpu.memory_space<vmem>> -> memref<16x1024xf32, #tpu.memory_space<vmem>>
    %dma_start3A_659 = arith.constant 0 : i32
    %dma_start3A_660 = tpu.memref_slice %arg4[%add3A_653, %dma_start3A_659] : memref<8192x1024xf32, #tpu.memory_space<hbm>> -> memref<16x1024xf32, #tpu.memory_space<hbm>>
    %dma_start3A_661 = arith.constant 0 : i32
    %dma_start3A_662 = tpu.memref_slice %arg4[%add3A_653, %dma_start3A_661] : memref<8192x1024xf32, #tpu.memory_space<hbm>> -> memref<16x1024xf32, #tpu.memory_space<hbm>>
    %dma_start3A_663 = arith.constant 0 : i32
    %dma_start3A_664 = arith.constant 0 : i32
    %dma_start3A_665 = tpu.memref_slice %arg6[%dma_start3A_654, %dma_start3A_663, %dma_start3A_664] : memref<6x16x1024xf32, #tpu.memory_space<vmem>> -> memref<1x16x1024xf32, #tpu.memory_space<vmem>>
    %dma_start3A_666 = tpu.memref_squeeze %dma_start3A_665 : memref<1x16x1024xf32, #tpu.memory_space<vmem>> -> memref<16x1024xf32, #tpu.memory_space<vmem>>
    tpu.enqueue_dma source(%dma_start3A_666 : memref<16x1024xf32, #tpu.memory_space<vmem>>) target(%dma_start3A_662 : memref<16x1024xf32, #tpu.memory_space<hbm>>) target_semaphore(%arg14 : memref<!tpu.dma_semaphore, #tpu.memory_space<semaphore_mem>>)
    %dma_wait3A_667 = arith.constant 0 : i32
    %dma_wait3A_668 = arith.constant 0 : i32
    %dma_wait3A_669 = arith.constant 0 : i32
    %dma_wait3A_670 = tpu.memref_slice %arg6[%dma_wait3A_667, %dma_wait3A_668, %dma_wait3A_669] : memref<6x16x1024xf32, #tpu.memory_space<vmem>> -> memref<1x16x1024xf32, #tpu.memory_space<vmem>>
    %dma_wait3A_671 = tpu.memref_squeeze %dma_wait3A_670 : memref<1x16x1024xf32, #tpu.memory_space<vmem>> -> memref<16x1024xf32, #tpu.memory_space<vmem>>
    %dma_wait3A_672 = arith.constant 0 : i32
    %dma_wait3A_673 = tpu.memref_slice %arg4[%add3A_615, %dma_wait3A_672] : memref<8192x1024xf32, #tpu.memory_space<hbm>> -> memref<16x1024xf32, #tpu.memory_space<hbm>>
    %dma_wait3A_674 = arith.constant 0 : i32
    %dma_wait3A_675 = tpu.memref_slice %arg4[%add3A_615, %dma_wait3A_674] : memref<8192x1024xf32, #tpu.memory_space<hbm>> -> memref<16x1024xf32, #tpu.memory_space<hbm>>
    %dma_wait3A_676 = arith.constant 0 : i32
    %dma_wait3A_677 = arith.constant 0 : i32
    %dma_wait3A_678 = tpu.memref_slice %arg6[%dma_wait3A_667, %dma_wait3A_676, %dma_wait3A_677] : memref<6x16x1024xf32, #tpu.memory_space<vmem>> -> memref<1x16x1024xf32, #tpu.memory_space<vmem>>
    %dma_wait3A_679 = tpu.memref_squeeze %dma_wait3A_678 : memref<1x16x1024xf32, #tpu.memory_space<vmem>> -> memref<16x1024xf32, #tpu.memory_space<vmem>>
    tpu.wait_dma2 semaphore(%arg13 : memref<!tpu.dma_semaphore, #tpu.memory_space<semaphore_mem>>) src(%dma_wait3A_679 : memref<16x1024xf32, #tpu.memory_space<vmem>>) dst(%dma_wait3A_675 : memref<16x1024xf32, #tpu.memory_space<hbm>>)
    %dma_wait3A_680 = arith.constant 2 : i32
    %dma_wait3A_681 = arith.constant 0 : i32
    %dma_wait3A_682 = arith.constant 0 : i32
    %dma_wait3A_683 = tpu.memref_slice %arg6[%dma_wait3A_680, %dma_wait3A_681, %dma_wait3A_682] : memref<6x16x1024xf32, #tpu.memory_space<vmem>> -> memref<1x16x1024xf32, #tpu.memory_space<vmem>>
    %dma_wait3A_684 = tpu.memref_squeeze %dma_wait3A_683 : memref<1x16x1024xf32, #tpu.memory_space<vmem>> -> memref<16x1024xf32, #tpu.memory_space<vmem>>
    %dma_wait3A_685 = arith.constant 224 : i32
    %dma_wait3A_686 = tpu.memref_slice %arg5[%dma_wait3A_685] : memref<256xi32, #tpu.memory_space<vmem>> -> memref<16xi32, #tpu.memory_space<vmem>>
    %dma_wait3A_687 = arith.constant 0 : i32
    %dma_wait3A_688 = arith.constant 0 : i32
    %dma_wait3A_689 = tpu.memref_slice %arg2[%dma_wait3A_687, %dma_wait3A_688] : memref<32768x1024xf32, #tpu.memory_space<hbm>> -> memref<32768x1024xf32, #tpu.memory_space<hbm>>
    tpu.wait_indirect_dma semaphore(%arg9 : memref<!tpu.dma_semaphore, #tpu.memory_space<semaphore_mem>>) src(%dma_wait3A_689 : memref<32768x1024xf32, #tpu.memory_space<hbm>>) dst(%dma_wait3A_684 : memref<16x1024xf32, #tpu.memory_space<vmem>>)
    %add3A_690 = arith.constant 224 : i32
    %add3A_691 = arith.addi %mul3A_2, %add3A_690 : i32
    %dma_start3A_692 = arith.constant 2 : i32
    %dma_start3A_693 = arith.constant 0 : i32
    %dma_start3A_694 = arith.constant 0 : i32
    %dma_start3A_695 = tpu.memref_slice %arg6[%dma_start3A_692, %dma_start3A_693, %dma_start3A_694] : memref<6x16x1024xf32, #tpu.memory_space<vmem>> -> memref<1x16x1024xf32, #tpu.memory_space<vmem>>
    %dma_start3A_696 = tpu.memref_squeeze %dma_start3A_695 : memref<1x16x1024xf32, #tpu.memory_space<vmem>> -> memref<16x1024xf32, #tpu.memory_space<vmem>>
    %dma_start3A_697 = arith.constant 0 : i32
    %dma_start3A_698 = tpu.memref_slice %arg4[%add3A_691, %dma_start3A_697] : memref<8192x1024xf32, #tpu.memory_space<hbm>> -> memref<16x1024xf32, #tpu.memory_space<hbm>>
    %dma_start3A_699 = arith.constant 0 : i32
    %dma_start3A_700 = tpu.memref_slice %arg4[%add3A_691, %dma_start3A_699] : memref<8192x1024xf32, #tpu.memory_space<hbm>> -> memref<16x1024xf32, #tpu.memory_space<hbm>>
    %dma_start3A_701 = arith.constant 0 : i32
    %dma_start3A_702 = arith.constant 0 : i32
    %dma_start3A_703 = tpu.memref_slice %arg6[%dma_start3A_692, %dma_start3A_701, %dma_start3A_702] : memref<6x16x1024xf32, #tpu.memory_space<vmem>> -> memref<1x16x1024xf32, #tpu.memory_space<vmem>>
    %dma_start3A_704 = tpu.memref_squeeze %dma_start3A_703 : memref<1x16x1024xf32, #tpu.memory_space<vmem>> -> memref<16x1024xf32, #tpu.memory_space<vmem>>
    tpu.enqueue_dma source(%dma_start3A_704 : memref<16x1024xf32, #tpu.memory_space<vmem>>) target(%dma_start3A_700 : memref<16x1024xf32, #tpu.memory_space<hbm>>) target_semaphore(%arg15 : memref<!tpu.dma_semaphore, #tpu.memory_space<semaphore_mem>>)
    %dma_wait3A_705 = arith.constant 1 : i32
    %dma_wait3A_706 = arith.constant 0 : i32
    %dma_wait3A_707 = arith.constant 0 : i32
    %dma_wait3A_708 = tpu.memref_slice %arg6[%dma_wait3A_705, %dma_wait3A_706, %dma_wait3A_707] : memref<6x16x1024xf32, #tpu.memory_space<vmem>> -> memref<1x16x1024xf32, #tpu.memory_space<vmem>>
    %dma_wait3A_709 = tpu.memref_squeeze %dma_wait3A_708 : memref<1x16x1024xf32, #tpu.memory_space<vmem>> -> memref<16x1024xf32, #tpu.memory_space<vmem>>
    %dma_wait3A_710 = arith.constant 0 : i32
    %dma_wait3A_711 = tpu.memref_slice %arg4[%add3A_653, %dma_wait3A_710] : memref<8192x1024xf32, #tpu.memory_space<hbm>> -> memref<16x1024xf32, #tpu.memory_space<hbm>>
    %dma_wait3A_712 = arith.constant 0 : i32
    %dma_wait3A_713 = tpu.memref_slice %arg4[%add3A_653, %dma_wait3A_712] : memref<8192x1024xf32, #tpu.memory_space<hbm>> -> memref<16x1024xf32, #tpu.memory_space<hbm>>
    %dma_wait3A_714 = arith.constant 0 : i32
    %dma_wait3A_715 = arith.constant 0 : i32
    %dma_wait3A_716 = tpu.memref_slice %arg6[%dma_wait3A_705, %dma_wait3A_714, %dma_wait3A_715] : memref<6x16x1024xf32, #tpu.memory_space<vmem>> -> memref<1x16x1024xf32, #tpu.memory_space<vmem>>
    %dma_wait3A_717 = tpu.memref_squeeze %dma_wait3A_716 : memref<1x16x1024xf32, #tpu.memory_space<vmem>> -> memref<16x1024xf32, #tpu.memory_space<vmem>>
    tpu.wait_dma2 semaphore(%arg14 : memref<!tpu.dma_semaphore, #tpu.memory_space<semaphore_mem>>) src(%dma_wait3A_717 : memref<16x1024xf32, #tpu.memory_space<vmem>>) dst(%dma_wait3A_713 : memref<16x1024xf32, #tpu.memory_space<hbm>>)
    %dma_wait3A_718 = arith.constant 3 : i32
    %dma_wait3A_719 = arith.constant 0 : i32
    %dma_wait3A_720 = arith.constant 0 : i32
    %dma_wait3A_721 = tpu.memref_slice %arg6[%dma_wait3A_718, %dma_wait3A_719, %dma_wait3A_720] : memref<6x16x1024xf32, #tpu.memory_space<vmem>> -> memref<1x16x1024xf32, #tpu.memory_space<vmem>>
    %dma_wait3A_722 = tpu.memref_squeeze %dma_wait3A_721 : memref<1x16x1024xf32, #tpu.memory_space<vmem>> -> memref<16x1024xf32, #tpu.memory_space<vmem>>
    %dma_wait3A_723 = arith.constant 240 : i32
    %dma_wait3A_724 = tpu.memref_slice %arg5[%dma_wait3A_723] : memref<256xi32, #tpu.memory_space<vmem>> -> memref<16xi32, #tpu.memory_space<vmem>>
    %dma_wait3A_725 = arith.constant 0 : i32
    %dma_wait3A_726 = arith.constant 0 : i32
    %dma_wait3A_727 = tpu.memref_slice %arg2[%dma_wait3A_725, %dma_wait3A_726] : memref<32768x1024xf32, #tpu.memory_space<hbm>> -> memref<32768x1024xf32, #tpu.memory_space<hbm>>
    tpu.wait_indirect_dma semaphore(%arg10 : memref<!tpu.dma_semaphore, #tpu.memory_space<semaphore_mem>>) src(%dma_wait3A_727 : memref<32768x1024xf32, #tpu.memory_space<hbm>>) dst(%dma_wait3A_722 : memref<16x1024xf32, #tpu.memory_space<vmem>>)
    %add3A_728 = arith.constant 240 : i32
    %add3A_729 = arith.addi %mul3A_2, %add3A_728 : i32
    %dma_start3A_730 = arith.constant 3 : i32
    %dma_start3A_731 = arith.constant 0 : i32
    %dma_start3A_732 = arith.constant 0 : i32
    %dma_start3A_733 = tpu.memref_slice %arg6[%dma_start3A_730, %dma_start3A_731, %dma_start3A_732] : memref<6x16x1024xf32, #tpu.memory_space<vmem>> -> memref<1x16x1024xf32, #tpu.memory_space<vmem>>
    %dma_start3A_734 = tpu.memref_squeeze %dma_start3A_733 : memref<1x16x1024xf32, #tpu.memory_space<vmem>> -> memref<16x1024xf32, #tpu.memory_space<vmem>>
    %dma_start3A_735 = arith.constant 0 : i32
    %dma_start3A_736 = tpu.memref_slice %arg4[%add3A_729, %dma_start3A_735] : memref<8192x1024xf32, #tpu.memory_space<hbm>> -> memref<16x1024xf32, #tpu.memory_space<hbm>>
    %dma_start3A_737 = arith.constant 0 : i32
    %dma_start3A_738 = tpu.memref_slice %arg4[%add3A_729, %dma_start3A_737] : memref<8192x1024xf32, #tpu.memory_space<hbm>> -> memref<16x1024xf32, #tpu.memory_space<hbm>>
    %dma_start3A_739 = arith.constant 0 : i32
    %dma_start3A_740 = arith.constant 0 : i32
    %dma_start3A_741 = tpu.memref_slice %arg6[%dma_start3A_730, %dma_start3A_739, %dma_start3A_740] : memref<6x16x1024xf32, #tpu.memory_space<vmem>> -> memref<1x16x1024xf32, #tpu.memory_space<vmem>>
    %dma_start3A_742 = tpu.memref_squeeze %dma_start3A_741 : memref<1x16x1024xf32, #tpu.memory_space<vmem>> -> memref<16x1024xf32, #tpu.memory_space<vmem>>
    tpu.enqueue_dma source(%dma_start3A_742 : memref<16x1024xf32, #tpu.memory_space<vmem>>) target(%dma_start3A_738 : memref<16x1024xf32, #tpu.memory_space<hbm>>) target_semaphore(%arg16 : memref<!tpu.dma_semaphore, #tpu.memory_space<semaphore_mem>>)
    %dma_wait3A_743 = arith.constant 2 : i32
    %dma_wait3A_744 = arith.constant 0 : i32
    %dma_wait3A_745 = arith.constant 0 : i32
    %dma_wait3A_746 = tpu.memref_slice %arg6[%dma_wait3A_743, %dma_wait3A_744, %dma_wait3A_745] : memref<6x16x1024xf32, #tpu.memory_space<vmem>> -> memref<1x16x1024xf32, #tpu.memory_space<vmem>>
    %dma_wait3A_747 = tpu.memref_squeeze %dma_wait3A_746 : memref<1x16x1024xf32, #tpu.memory_space<vmem>> -> memref<16x1024xf32, #tpu.memory_space<vmem>>
    %dma_wait3A_748 = arith.constant 0 : i32
    %dma_wait3A_749 = tpu.memref_slice %arg4[%add3A_691, %dma_wait3A_748] : memref<8192x1024xf32, #tpu.memory_space<hbm>> -> memref<16x1024xf32, #tpu.memory_space<hbm>>
    %dma_wait3A_750 = arith.constant 0 : i32
    %dma_wait3A_751 = tpu.memref_slice %arg4[%add3A_691, %dma_wait3A_750] : memref<8192x1024xf32, #tpu.memory_space<hbm>> -> memref<16x1024xf32, #tpu.memory_space<hbm>>
    %dma_wait3A_752 = arith.constant 0 : i32
    %dma_wait3A_753 = arith.constant 0 : i32
    %dma_wait3A_754 = tpu.memref_slice %arg6[%dma_wait3A_743, %dma_wait3A_752, %dma_wait3A_753] : memref<6x16x1024xf32, #tpu.memory_space<vmem>> -> memref<1x16x1024xf32, #tpu.memory_space<vmem>>
    %dma_wait3A_755 = tpu.memref_squeeze %dma_wait3A_754 : memref<1x16x1024xf32, #tpu.memory_space<vmem>> -> memref<16x1024xf32, #tpu.memory_space<vmem>>
    tpu.wait_dma2 semaphore(%arg15 : memref<!tpu.dma_semaphore, #tpu.memory_space<semaphore_mem>>) src(%dma_wait3A_755 : memref<16x1024xf32, #tpu.memory_space<vmem>>) dst(%dma_wait3A_751 : memref<16x1024xf32, #tpu.memory_space<hbm>>)
    %dma_wait3A_756 = arith.constant 3 : i32
    %dma_wait3A_757 = arith.constant 0 : i32
    %dma_wait3A_758 = arith.constant 0 : i32
    %dma_wait3A_759 = tpu.memref_slice %arg6[%dma_wait3A_756, %dma_wait3A_757, %dma_wait3A_758] : memref<6x16x1024xf32, #tpu.memory_space<vmem>> -> memref<1x16x1024xf32, #tpu.memory_space<vmem>>
    %dma_wait3A_760 = tpu.memref_squeeze %dma_wait3A_759 : memref<1x16x1024xf32, #tpu.memory_space<vmem>> -> memref<16x1024xf32, #tpu.memory_space<vmem>>
    %dma_wait3A_761 = arith.constant 0 : i32
    %dma_wait3A_762 = tpu.memref_slice %arg4[%add3A_729, %dma_wait3A_761] : memref<8192x1024xf32, #tpu.memory_space<hbm>> -> memref<16x1024xf32, #tpu.memory_space<hbm>>
    %dma_wait3A_763 = arith.constant 0 : i32
    %dma_wait3A_764 = tpu.memref_slice %arg4[%add3A_729, %dma_wait3A_763] : memref<8192x1024xf32, #tpu.memory_space<hbm>> -> memref<16x1024xf32, #tpu.memory_space<hbm>>
    %dma_wait3A_765 = arith.constant 0 : i32
    %dma_wait3A_766 = arith.constant 0 : i32
    %dma_wait3A_767 = tpu.memref_slice %arg6[%dma_wait3A_756, %dma_wait3A_765, %dma_wait3A_766] : memref<6x16x1024xf32, #tpu.memory_space<vmem>> -> memref<1x16x1024xf32, #tpu.memory_space<vmem>>
    %dma_wait3A_768 = tpu.memref_squeeze %dma_wait3A_767 : memref<1x16x1024xf32, #tpu.memory_space<vmem>> -> memref<16x1024xf32, #tpu.memory_space<vmem>>
    tpu.wait_dma2 semaphore(%arg16 : memref<!tpu.dma_semaphore, #tpu.memory_space<semaphore_mem>>) src(%dma_wait3A_768 : memref<16x1024xf32, #tpu.memory_space<vmem>>) dst(%dma_wait3A_764 : memref<16x1024xf32, #tpu.memory_space<hbm>>)
    return
  }
}

</mosaic_0001>

<sc_bundles>
// kernel: kernel.3.cloned.1.call-start
scs
__scs_entry_jumppad:
0x0: {  	(pc) =	sbr.rel $0x88, $3  }
0x1: {  	(tag) =	ssettag $0x0;
	lr =	simm.s32 $0x1  }
0x2: {  	[smem:$0x3F9F] =	sst lr;
	_ =	strace $0xD0000000  }
0x3: {  	_ = 	snop  }
0x4: {  	_ = 	snop  }
0x5: {  	_ = 	snop  }
0x6: {  	_ = 	snop  }
0x7: {  	_ = 	snop  }
__scs_overlays_trampoline_lowered:
0x8: {  	[smem:$0x3FAE] =	sst s0  }
0x9: {  	[smem:$0x3FAF] =	sst s1  }
0xa: {  	[smem:$0x3FB0] =	sst s2  }
0xb: {  	[smem:$0x3FB1] =	sst s3  }
0xc: {  	[smem:$0x3FB2] =	sst s4  }
0xd: {  	[smem:$0x3FB3] =	sst s5  }
0xe: {  	[smem:$0x3FB4] =	sst s6  }
0xf: {  	[smem:$0x3FB5] =	sst s7  }
0x10: {  	[smem:$0x3FB6] =	sst s8  }
0x11: {  	[smem:$0x3FB7] =	sst s9;
	s0 =	simm.s32 @!p0 $0x0  }
0x12: {  	s1 =	sld [smem:$0x3F9D];
	s0 =	simm.s32 @p0 $0x1  }
0x13: {  	[smem:$0x3FB8] =	sst s0;
	s0 =	simm.s32 @!p1 $0x0  }
0x14: {  	s2 =	sld [smem:$0x3F9C];
	s0 =	simm.s32 @p1 $0x1  }
0x15: {  	[smem:$0x3FB9] =	sst s0;
	s0 =	simm.s32 @!p2 $0x0  }
0x16: {  	s3 =	sld [smem:$0x3FDB];
	s0 =	simm.s32 @p2 $0x1  }
0x17: {  	s4 =	simm.s32 $0x1BF5;
	[smem:$0x3FBB] =	sst s0  }
0x18: {  	s0 =	sld [smem:$0x3F9E];
	_ =	swait.ge [sflag:s4], $0x0  }
0x19: {  	s7 =	sld [smem:$0x3F9F]  }
0x1a: {  	s8 =	sadd.s32 $0xFFFFE003, lr  }
0x1b: {  	s9 =	sadd.s32 $0xFFFFFEF7, lr;
	s5 =	simm.s32 $0xFFFFFFFF;
	p2 =	slt.u32 s8, $0xFFFFF086  }
0x1c: {  	p1 =	slt.u32 s9, $0xF7A;
	s5 =	simm.s32 @!p2 $0x0  }
0x1d: {  	s5 =	simm.s32 @p1 $0x1;
	p0 =	seq.s32 s7, s2  }
0x1e: {  	s7 =	smul.u32 @!p0 $0xF7A, s2;
	p2 =	seq.s32 @!p0 s5, $0x0  }
0x1f: {  	s9 =	smul.u32 $0xF7A, s1;
	s8 =	simm.s32 @!p0 $0x1BF5;
	p2 =	por !p2, p0  }
0x20: {  	[sflag:s8] =	ssyncset.s32 @!p0 $0xFFFFF086;
	s6 =	sadd.s32 @!p0 s3, s7;
	s7 =	simm.s32 @!p0 $0x108  }
0x21: {  	s3 =	sadd.s32 s3, s9;
	s6 =	sadd.s32 @!p0 $0x88, s6;
	s7 =	simm.s32 @p2 $0x1082  }
0x22: {  	[simem:s7], [sflag:s8] =	dma.local @!p0 [hbm:s6], $0xF7A  }
0x23: {  	s9 =	sor.u32 $0xD0000000, s2;
	s6 =	simm.s32 $0x108;
	_ =	swait.ge @!p0 [sflag:s8], $0x0  }
0x24: {  	s3 =	sadd.s32 $0x88, s3;
	s6 =	simm.s32 @!p1 $0x1082;
	[sflag:s4] =	ssyncset.s32 $0xFFFFF086  }
0x25: {  	[simem:s6], [sflag:s4] =	dma.local [hbm:s3], $0xF7A  }
0x26: {  	[smem:$0x3F9F] =	sst s1;
	(tag) =	ssettag s2;
	_ =	strace s9  }
0x27: {  	s1 =	sld [smem:$0x3FAF]  }
0x28: {  	s2 =	sld [smem:$0x3FB0]  }
0x29: {  	s4 =	sld [smem:$0x3FB2]  }
0x2a: {  	p0 =	seq.s32 s5, $0x0;
	s5 =	sld [smem:$0x3FB3]  }
0x2b: {  	s6 =	sld [smem:$0x3FB4]  }
0x2c: {  	s7 =	sld [smem:$0x3FB5]  }
0x2d: {  	s3 =	simm.s32 $0x108;
	s8 =	sld [smem:$0x3FB6]  }
0x2e: {  	s3 =	simm.s32 @!p0 $0x1082;
	s9 =	sld [smem:$0x3FB7]  }
0x2f: {  	lr =	sadd.s32 s0, s3;
	s0 =	sld [smem:$0x3FAE]  }
0x30: {  	s3 =	sld [smem:$0x3FB1]  }
0x31: {  	[smem:$0x3FBA] =	sst s10  }
0x32: {  	s10 =	sld [smem:$0x3FB8];
	_ =	sdelay $0x3  }
0x33: {  	p0 =	seq.s32 s10, $0x1;
	s10 =	sld [smem:$0x3FBA];
	_ =	sdelay $0x3  }
0x34: {  	[smem:$0x3FBA] =	sst s10  }
0x35: {  	s10 =	sld [smem:$0x3FB9];
	_ =	sdelay $0x3  }
0x36: {  	p1 =	seq.s32 s10, $0x1;
	s10 =	sld [smem:$0x3FBA];
	_ =	sdelay $0x3  }
0x37: {  	[smem:$0x3FBA] =	sst s10  }
0x38: {  	s10 =	sld [smem:$0x3FBB]  }
0x39: {  	_ = 	snop;
	(pc) =	sbr.ind lr, $3  }
0x3a: {  	_ = 	snop  }
0x3b: {  	_ = 	snop  }
0x3c: {  	p2 =	seq.s32 s10, $0x1;
	s10 =	sld [smem:$0x3FBA]  }
0x3d: {  	_ =	shalt  }
0x3e: {  	_ =	shalt  }
0x3f: {  	_ =	shalt  }
0x40: {  	_ =	shalt  }
0x41: {  	_ =	shalt  }
0x42: {  	_ =	shalt  }
0x43: {  	_ =	shalt  }
0x44: {  	_ =	shalt  }
0x45: {  	_ =	shalt  }
0x46: {  	_ =	shalt  }
0x47: {  	_ =	shalt  }
0x48: {  	_ =	shalt  }
0x49: {  	_ =	shalt  }
0x4a: {  	_ =	shalt  }
0x4b: {  	_ =	shalt  }
0x4c: {  	_ =	shalt  }
0x4d: {  	_ =	shalt  }
0x4e: {  	_ =	shalt  }
0x4f: {  	_ =	shalt  }
0x50: {  	_ =	shalt  }
0x51: {  	_ =	shalt  }
0x52: {  	_ =	shalt  }
0x53: {  	_ =	shalt  }
0x54: {  	_ =	shalt  }
0x55: {  	_ =	shalt  }
0x56: {  	_ =	shalt  }
0x57: {  	_ =	shalt  }
0x58: {  	_ =	shalt  }
0x59: {  	_ =	shalt  }
0x5a: {  	_ =	shalt  }
0x5b: {  	_ =	shalt  }
0x5c: {  	_ =	shalt  }
0x5d: {  	_ =	shalt  }
0x5e: {  	_ =	shalt  }
0x5f: {  	_ =	shalt  }
0x60: {  	_ =	shalt  }
0x61: {  	_ =	shalt  }
0x62: {  	_ =	shalt  }
0x63: {  	_ =	shalt  }
0x64: {  	_ =	shalt  }
0x65: {  	_ =	shalt  }
0x66: {  	_ =	shalt  }
0x67: {  	_ =	shalt  }
0x68: {  	_ =	shalt  }
0x69: {  	_ =	shalt  }
0x6a: {  	_ =	shalt  }
0x6b: {  	_ =	shalt  }
0x6c: {  	_ =	shalt  }
0x6d: {  	_ =	shalt  }
0x6e: {  	_ =	shalt  }
0x6f: {  	_ =	shalt  }
0x70: {  	_ =	shalt  }
0x71: {  	_ =	shalt  }
0x72: {  	_ =	shalt  }
0x73: {  	_ =	shalt  }
0x74: {  	_ =	shalt  }
0x75: {  	_ =	shalt  }
0x76: {  	_ =	shalt  }
0x77: {  	_ =	shalt  }
0x78: {  	_ =	shalt  }
0x79: {  	_ =	shalt  }
0x7a: {  	_ =	shalt  }
0x7b: {  	_ =	shalt  }
0x7c: {  	_ =	shalt  }
0x7d: {  	_ =	shalt  }
0x7e: {  	_ =	shalt  }
0x7f: {  	_ =	shalt  }
0x80: {  	_ =	shalt  }
0x81: {  	_ =	shalt  }
0x82: {  	_ =	shalt  }
0x83: {  	_ =	shalt  }
0x84: {  	_ =	shalt  }
0x85: {  	_ =	shalt  }
0x86: {  	_ =	shalt  }
0x87: {  	_ =	shalt  }
.Lfunc_end0:
.L_simem_size_0:
called_computation_lowered:
.L_overlay_start_0:
0x88: {  	s2 =	sld [smem:$0x3FD9]  }
0x89: {  	s3 =	sld [smem:$0x3FFE];
	_ =	sdelay $0x1  }
0x8a: {  	s1 =	srdreg.scid  }
0x8b: {  	s0 =	sand.u32 $0x1, s1  }
0x8c: {  	s18 =	sshll.u32 s0, $0xA;
	s2 =	sadd.s32 s3, s2  }
0x8d: {  	s2 =	sadd.s32 s2, s18  }
0x8e: {  	[smem:$0x3FC6] =	sst s2  }
0x8f: {  	_ = 	snop  }
0x90: {  	s2 =	sld [smem:$0x3FC9]  }
0x91: {  	s19 =	sld [smem:$0x3FC8]  }
0x92: {  	s4 =	sld [smem:$0x3FD0];
	(tm) =	ssettm $0x1  }
0x93: {  	s5 =	sld [smem:$0x3FFB];
	_ =	sdelay $0x3  }
0x94: {  	_ =	strace s5  }
0x95: {  	s5 =	sld [smem:$0x3FFC];
	_ =	sdelay $0x3  }
0x96: {  	_ =	strace s5  }
0x97: {  	s5 =	sld [smem:$0x3FFD];
	_ =	sdelay $0x3  }
0x98: {  	_ =	strace s5  }
0x99: {  	_ =	strace $0x8FFFFFFF  }
0x9a: {  	s20 =	sld [smem:$0x3FDB];
	_ =	sdelay $0x1  }
0x9b: {  	s6 =	simm.s32 $_scs_section_size  }
0x9c: {  	s7 =	simm.s32 $_size__tile_overlayer_lowered;
	s8 =	simm.s32 $_tile_overlayer_lowered  }
0x9d: {  	s23 =	simm.s32 $0x1BFF;
	s22 =	sshll.u32 s8, $0x1;
	s5 =	sadd.s32 s6, s20  }
0x9e: {  	s9 =	simm.s32 $0x0;
	s21 =	sshll.u32 s7, $0x1;
	s7 =	sadd.s32 s22, s5  }
0x9f: {  	[timem:s9], [sflag:s23] =	dma.local [hbm:s7], s21  }
0xa0: {  	_ =	swait.ge [sflag:s23], s21  }
0xa1: {  	s6 =	ssub.s32 $0x0, s21;
	[sflag:s23] =	ssyncset.done $0x0  }
0xa2: {  	[sflag:s23] =	ssyncadd.s32 s6;
	_ =	sdelay $0x1  }
0xa3: {  	s24 =	simm.s32 $0x1B8B  }
0xa4: {  	_ =	swait.ge [sflag:s24], $0x1  }
0xa5: {  	[sflag:s24] =	ssyncset.done $0x0  }
0xa6: {  	s25 =	simm.s32 $0x1B8E;
	[sflag:s24] =	ssyncadd.s32 $0xFFFFFFFF  }
0xa7: {  	s26 =	simm.s32 $execute0_lowered;
	[smem:$0x3FD2] =	sst s25  }
0xa8: {  	s6 =	sshll.u32 s26, $0x1;
	_ =	strace $0x80000046;
	[dreg:$0x1] =	wrdreg $0xFFFFFFFF  }
0xa9: {  	s28 =	simm.s32 $_size_execute0_lowered;
	s5 =	sadd.s32 s5, s6;
	[dreg:$0x0] =	wrdreg $0x0  }
0xaa: {  	s6 =	sshll.u32 s28, $0x1;
	[dreg:$0x2] =	wrdreg s5  }
0xab: {  	[dreg:$0x3] =	wrdreg s6  }
0xac: {  	[dreg:$0x4] =	wrdreg $0xC0  }
0xad: {  	_ =	task [dreg:s9], $0x5FFFF  }
0xae: {  	[dreg:$0x1] =	wrdreg $0xFFFFFFFF  }
0xaf: {  	[dreg:$0x0] =	wrdreg $0x60  }
0xb0: {  	[dreg:$0x2] =	wrdreg s19  }
0xb1: {  	[dreg:$0x3] =	wrdreg s2  }
0xb2: {  	[dreg:$0x4] =	wrdreg s4  }
0xb3: {  	[dreg:$0x5] =	wrdreg $0x9  }
0xb4: {  	_ =	task.clear_ibuf [dreg:s9], $0x6FFFF;
	_ =	strace $0x90000046  }
0xb5: {  	s29 =	simm.s32 $0x9;
	_ =	strace $0x80000048  }
0xb6: {  	_ =	swait.ge [sflag:s29], $0x1  }
0xb7: {  	[sflag:s29] =	ssyncadd.s32 $0xFFFFFFFF  }
0xb8: {  	_ =	strace $0x90000048  }
0xb9: {  	_ =	sfence  }
0xba: {  	s30 =	sld [smem:$0x0];
	_ =	sdelay $0x2  }
0xbb: {  	s31 =	sshll.u32 s1, $0xD;
	s1 =	sshrl.u32 s1, $0x2  }
0xbc: {  	s3 =	sand.u32 $0x4000, s31;
	s1 =	sadd.s32 s1, s30  }
0xbd: {  	s0 =	sor.u32 s3, s0;
	s1 =	sshll.u32 s1, $0x11  }
0xbe: {  	s0 =	sor.u32 s1, s0  }
0xbf: {  	s0 =	sadd.s32 $0x8F2B, s0  }
0xc0: {  	[sflag:s0] =	ssyncadd.remote.s32 $0x1  }
0xc1: {  	_ =	sfence.sel $0xFFFF  }
0xc2: {  	[dreg:$0x0] =	wrdreg $0xFFFFFFFF;
	(pc) =	sbr.abs _section_cstart, $3  }
0xc3: {  	[dreg:$0x1] =	wrdreg $0xFFFFFFFF  }
0xc4: {  	_ =	task.clear_ibuf [dreg:s9], $0x2FFFF;
	_ =	strace $0x9FFFFFFF  }
0xc5: {  	(tm) =	ssettm $0x7FFFFFFF  }
tec
execute0_lowered:
.L_overlay_start_1:
0x0: {  	(tag) =	ssettag $0x1  }
0x1: {  	s0 =	srdreg.scid  }
0x2: {  	s3 =	stileid.u32;
	s0 =	sand.u32 $0x1, s0  }
0x3: {  	s1 =	rddreg [dreg:$0x0];
	s5 =	sshll.u32 s3, $0x9;
	s6 =	sshll.u32 s0, $0x8  }
0x4: {  	s2 =	rddreg [dreg:$0x1];
	s5 =	sor.u32 s6, s5  }
0x5: {  	s4 =	rddreg [dreg:$0x2];
	s3 =	simm.s32 $0x0;
	s6 =	sshrl.u32 s5, $0x3  }
0x6: {  	[smem:$0x7FF] =	sst s3;
	s5 =	sshll.u32 s5, $0x7;
	s2 =	sadd.s32 s2, s6  }
0x7: {  	_ =	strace $0x80000047;
	s8 =	sadd.s32 s4, s5;
	[dreg:$0x4] =	wrdreg s2  }
0x8: {  	s11 =	sadd.s32 $0x800, s8;
	[dreg:$0x14] =	wrdreg s8  }
0x9: {  	s12 =	sadd.s32 $0x1000, s8;
	[dreg:$0x5] =	wrdreg s11  }
0xa: {  	s28 =	simm.s32 $0x4;
	s13 =	sadd.s32 $0x1800, s8;
	[dreg:$0x6] =	wrdreg s12  }
0xb: {  	s29 =	simm.s32 $0x9;
	s14 =	sadd.s32 $0x2000, s8;
	[dreg:$0x7] =	wrdreg s13  }
0xc: {  	s31 =	simm.s32 $0xA;
	s15 =	sadd.s32 $0x2800, s8;
	[dreg:$0x8] =	wrdreg s14  }
0xd: {  	s30 =	simm.s32 $0x8100;
	s16 =	sadd.s32 $0x3000, s8;
	[dreg:$0x9] =	wrdreg s15  }
0xe: {  	s9 =	simm.s32 $0xC100;
	s17 =	sadd.s32 $0x3800, s8;
	[dreg:$0xa] =	wrdreg s16  }
0xf: {  	s10 =	simm.s32 $0x10100;
	s18 =	sadd.s32 $0x4000, s8;
	[dreg:$0xb] =	wrdreg s17  }
0x10: {  	s7 =	sadd.s32 $0x300, s1;
	s19 =	sadd.s32 $0x4800, s8;
	[dreg:$0xc] =	wrdreg s18  }
0x11: {  	s0 =	ssub.s32 $0x2, s0;
	s20 =	sadd.s32 $0x5000, s8;
	[dreg:$0xd] =	wrdreg s19  }
0x12: {  	s21 =	sshrl.u32 s0, $0x1;
	s22 =	sadd.s32 $0x5800, s8;
	[dreg:$0xe] =	wrdreg s20  }
0x13: {  	s0 =	ssub.s32 s0, s21;
	s23 =	sadd.s32 $0x6000, s8;
	[dreg:$0xf] =	wrdreg s22  }
0x14: {  	s21 =	simm.s32 $0x10900;
	s24 =	sadd.s32 $0x6800, s8;
	[dreg:$0x10] =	wrdreg s23  }
0x15: {  	s5 =	sadd.s32 $0x100, s1;
	s25 =	sadd.s32 $0x7000, s8;
	[dreg:$0x11] =	wrdreg s24  }
0x16: {  	s6 =	sadd.s32 $0x200, s1;
	s26 =	sadd.s32 $0x7800, s8;
	[dreg:$0x12] =	wrdreg s25  }
0x17: {  	s8 =	smax.u32 s0, $0x1;
	[dreg:$0x13] =	wrdreg s26;
	s19 =	simm.s32 $0x1  }
0x18: {  	s22 =	simm.s32 $0x2;
	s23 =	simm.s32 $0x7;
	s24 =	simm.s32 $0x3  }
0x19: {  	v2 =	vlaneseq.u32;
	s25 =	simm.s32 $0x8;
	s18 =	simm.s32 $0x100;
	s26 =	simm.s32 $0x4100  }
0x1a: {  	vm0 =	vmmov $0xffff;
	v1 =	vshrl.u32 v2, $0x3;
	s16 =	simm.s32 $0x11100;
	s12 =	simm.s32 $0x12100;
	s13 =	simm.s32 $0x12900  }
0x1b: {  	v0 =	vand.u32 $0x7, v2;
	v2 =	vor.u32 $0x8, v2;
	v1 =	vmul.u32 $0x8, v1;
	s14 =	simm.s32 $0x13100;
	s15 =	simm.s32 $0x13900;
	s17 =	simm.s32 $0x14100  }
.LBB2_1:
0x1c: {  	s11 =	rddreg [dreg:$0x4];
	s4 =	simm.s32 $0xD  }
0x1d: {  	[tilespmem:s3], [sflag:$0xD] =	stream.linear.gather [hbm4b:s11+s3], $0x100, $0x38;
	[tilespmem:$0x18100] =	vst v63  }
0x1e: {  	_ =	swait.ge [sflag:s4], $0x100  }
0x1f: {  	[sflag:s4] =	ssyncset.done $0x0  }
0x20: {  	[sflag:s4] =	ssyncadd.s32 $0xFFFFFF00  }
0x21: {  	v3 =	vld [tilespmem:$0x0];
	_ =	sdelay $0x4  }
0x22: {  	v4 =	vshll.u32 v3, $0x3  }
0x23: {  	v3 =	vand.u32 $0x7, v3;
	v4 =	vand.u32 $0xFFFFFFC0, v4  }
0x24: {  	v3 =	vor.u32 v3, v4  }
0x25: {  	v4 =	vperm.xlane v3, v0;
	_ =	sdelay $0x1  }
0x26: {  	v4 =	vadd.s32 v1, v4;
	_ =	sdelay $0x4  }
0x27: {  	[tilespmem:s18], [sflag:$0x1] =	stream.indirect_vreg.gather [hbm4b:s1+s3], $0x80, v4, vm0, $0xb8;
	[tilespmem:$0x18100] =	vst v63  }
0x28: {  	s0 =	simm.s32 $0x900;
	v3 =	vperm.xlane v3, v2  }
0x29: {  	[tilespmem:s0], [sflag:$0x1] =	stream.indirect_vreg.gather [hbm4b:s5+s3], $0x80, v4, vm0, $0xb8;
	[tilespmem:$0x18100] =	vst v63  }
0x2a: {  	s11 =	simm.s32 $0x1100;
	v3 =	vadd.s32 v1, v3  }
0x2b: {  	[tilespmem:s11], [sflag:$0x1] =	stream.indirect_vreg.gather [hbm4b:s6+s3], $0x80, v4, vm0, $0xb8;
	[tilespmem:$0x18100] =	vst v63  }
0x2c: {  	s20 =	simm.s32 $0x1900  }
0x2d: {  	[tilespmem:s20], [sflag:$0x1] =	stream.indirect_vreg.gather [hbm4b:s7+s3], $0x80, v4, vm0, $0xb8;
	[tilespmem:$0x18100] =	vst v63  }
0x2e: {  	s4 =	simm.s32 $0x2100  }
0x2f: {  	[tilespmem:s4], [sflag:$0x1] =	stream.indirect_vreg.gather [hbm4b:s1+s3], $0x80, v3, vm0, $0xb8;
	[tilespmem:$0x18100] =	vst v63  }
0x30: {  	s11 =	simm.s32 $0x2900  }
0x31: {  	[tilespmem:s11], [sflag:$0x1] =	stream.indirect_vreg.gather [hbm4b:s5+s3], $0x80, v3, vm0, $0xb8;
	[tilespmem:$0x18100] =	vst v63  }
0x32: {  	s20 =	simm.s32 $0x3100  }
0x33: {  	[tilespmem:s20], [sflag:$0x1] =	stream.indirect_vreg.gather [hbm4b:s6+s3], $0x80, v3, vm0, $0xb8;
	[tilespmem:$0x18100] =	vst v63  }
0x34: {  	s4 =	simm.s32 $0x3900  }
0x35: {  	[tilespmem:s4], [sflag:$0x1] =	stream.indirect_vreg.gather [hbm4b:s7+s3], $0x80, v3, vm0, $0xb8;
	[tilespmem:$0x18100] =	vst v63  }
0x36: {  	v3 =	vld [tilespmem:$0x10];
	_ =	sdelay $0x4  }
0x37: {  	v49 =	vshll.u32 v3, $0x3  }
0x38: {  	v3 =	vand.u32 $0x7, v3;
	v4 =	vand.u32 $0xFFFFFFC0, v49  }
0x39: {  	v3 =	vor.u32 v3, v4  }
0x3a: {  	v4 =	vperm.xlane v3, v0;
	_ =	sdelay $0x1  }
0x3b: {  	v4 =	vadd.s32 v1, v4;
	_ =	sdelay $0x4  }
0x3c: {  	[tilespmem:s26], [sflag:$0x2] =	stream.indirect_vreg.gather [hbm4b:s1+s3], $0x80, v4, vm0, $0xb8;
	[tilespmem:$0x18100] =	vst v63  }
0x3d: {  	s11 =	simm.s32 $0x4900;
	v3 =	vperm.xlane v3, v2  }
0x3e: {  	[tilespmem:s11], [sflag:$0x2] =	stream.indirect_vreg.gather [hbm4b:s5+s3], $0x80, v4, vm0, $0xb8;
	[tilespmem:$0x18100] =	vst v63  }
0x3f: {  	s4 =	simm.s32 $0x5100;
	v3 =	vadd.s32 v1, v3  }
0x40: {  	[tilespmem:s4], [sflag:$0x2] =	stream.indirect_vreg.gather [hbm4b:s6+s3], $0x80, v4, vm0, $0xb8;
	[tilespmem:$0x18100] =	vst v63  }
0x41: {  	s11 =	simm.s32 $0x5900  }
0x42: {  	[tilespmem:s11], [sflag:$0x2] =	stream.indirect_vreg.gather [hbm4b:s7+s3], $0x80, v4, vm0, $0xb8;
	[tilespmem:$0x18100] =	vst v63  }
0x43: {  	s4 =	simm.s32 $0x6100  }
0x44: {  	[tilespmem:s4], [sflag:$0x2] =	stream.indirect_vreg.gather [hbm4b:s1+s3], $0x80, v3, vm0, $0xb8;
	[tilespmem:$0x18100] =	vst v63  }
0x45: {  	s11 =	simm.s32 $0x6900  }
0x46: {  	[tilespmem:s11], [sflag:$0x2] =	stream.indirect_vreg.gather [hbm4b:s5+s3], $0x80, v3, vm0, $0xb8;
	[tilespmem:$0x18100] =	vst v63  }
0x47: {  	s4 =	simm.s32 $0x7100  }
0x48: {  	[tilespmem:s4], [sflag:$0x2] =	stream.indirect_vreg.gather [hbm4b:s6+s3], $0x80, v3, vm0, $0xb8;
	[tilespmem:$0x18100] =	vst v63  }
0x49: {  	s11 =	simm.s32 $0x7900  }
0x4a: {  	[tilespmem:s11], [sflag:$0x2] =	stream.indirect_vreg.gather [hbm4b:s7+s3], $0x80, v3, vm0, $0xb8;
	[tilespmem:$0x18100] =	vst v63  }
0x4b: {  	v3 =	vld [tilespmem:$0x20];
	_ =	sdelay $0x4  }
0x4c: {  	v50 =	vshll.u32 v3, $0x3  }
0x4d: {  	v3 =	vand.u32 $0x7, v3;
	v4 =	vand.u32 $0xFFFFFFC0, v50  }
0x4e: {  	v3 =	vor.u32 v3, v4  }
0x4f: {  	v4 =	vperm.xlane v3, v0;
	_ =	sdelay $0x1  }
0x50: {  	v4 =	vadd.s32 v1, v4;
	_ =	sdelay $0x4  }
0x51: {  	[tilespmem:s30], [sflag:$0x3] =	stream.indirect_vreg.gather [hbm4b:s1+s3], $0x80, v4, vm0, $0xb8;
	[tilespmem:$0x18100] =	vst v63  }
0x52: {  	s4 =	simm.s32 $0x8900;
	v3 =	vperm.xlane v3, v2  }
0x53: {  	[tilespmem:s4], [sflag:$0x3] =	stream.indirect_vreg.gather [hbm4b:s5+s3], $0x80, v4, vm0, $0xb8;
	[tilespmem:$0x18100] =	vst v63  }
0x54: {  	s11 =	simm.s32 $0x9100;
	v3 =	vadd.s32 v1, v3  }
0x55: {  	[tilespmem:s11], [sflag:$0x3] =	stream.indirect_vreg.gather [hbm4b:s6+s3], $0x80, v4, vm0, $0xb8;
	[tilespmem:$0x18100] =	vst v63  }
0x56: {  	s4 =	simm.s32 $0x9900  }
0x57: {  	[tilespmem:s4], [sflag:$0x3] =	stream.indirect_vreg.gather [hbm4b:s7+s3], $0x80, v4, vm0, $0xb8;
	[tilespmem:$0x18100] =	vst v63  }
0x58: {  	s11 =	simm.s32 $0xA100  }
0x59: {  	[tilespmem:s11], [sflag:$0x3] =	stream.indirect_vreg.gather [hbm4b:s1+s3], $0x80, v3, vm0, $0xb8;
	[tilespmem:$0x18100] =	vst v63  }
0x5a: {  	s4 =	simm.s32 $0xA900  }
0x5b: {  	[tilespmem:s4], [sflag:$0x3] =	stream.indirect_vreg.gather [hbm4b:s5+s3], $0x80, v3, vm0, $0xb8;
	[tilespmem:$0x18100] =	vst v63  }
0x5c: {  	s11 =	simm.s32 $0xB100  }
0x5d: {  	[tilespmem:s11], [sflag:$0x3] =	stream.indirect_vreg.gather [hbm4b:s6+s3], $0x80, v3, vm0, $0xb8;
	[tilespmem:$0x18100] =	vst v63  }
0x5e: {  	s4 =	simm.s32 $0xB900  }
0x5f: {  	[tilespmem:s4], [sflag:$0x3] =	stream.indirect_vreg.gather [hbm4b:s7+s3], $0x80, v3, vm0, $0xb8;
	[tilespmem:$0x18100] =	vst v63  }
0x60: {  	v3 =	vld [tilespmem:$0x30];
	_ =	sdelay $0x4  }
0x61: {  	v51 =	vshll.u32 v3, $0x3  }
0x62: {  	v3 =	vand.u32 $0x7, v3;
	v4 =	vand.u32 $0xFFFFFFC0, v51  }
0x63: {  	v3 =	vor.u32 v3, v4  }
0x64: {  	v4 =	vperm.xlane v3, v0;
	_ =	sdelay $0x1  }
0x65: {  	v4 =	vadd.s32 v1, v4;
	_ =	sdelay $0x4  }
0x66: {  	[tilespmem:s9], [sflag:$0x4] =	stream.indirect_vreg.gather [hbm4b:s1+s3], $0x80, v4, vm0, $0xb8;
	[tilespmem:$0x18100] =	vst v63  }
0x67: {  	s11 =	simm.s32 $0xC900;
	v3 =	vperm.xlane v3, v2  }
0x68: {  	[tilespmem:s11], [sflag:$0x4] =	stream.indirect_vreg.gather [hbm4b:s5+s3], $0x80, v4, vm0, $0xb8;
	[tilespmem:$0x18100] =	vst v63  }
0x69: {  	s4 =	simm.s32 $0xD100;
	v3 =	vadd.s32 v1, v3  }
0x6a: {  	[tilespmem:s4], [sflag:$0x4] =	stream.indirect_vreg.gather [hbm4b:s6+s3], $0x80, v4, vm0, $0xb8;
	[tilespmem:$0x18100] =	vst v63  }
0x6b: {  	s11 =	simm.s32 $0xD900  }
0x6c: {  	[tilespmem:s11], [sflag:$0x4] =	stream.indirect_vreg.gather [hbm4b:s7+s3], $0x80, v4, vm0, $0xb8;
	[tilespmem:$0x18100] =	vst v63  }
0x6d: {  	s4 =	simm.s32 $0xE100  }
0x6e: {  	[tilespmem:s4], [sflag:$0x4] =	stream.indirect_vreg.gather [hbm4b:s1+s3], $0x80, v3, vm0, $0xb8;
	[tilespmem:$0x18100] =	vst v63  }
0x6f: {  	s11 =	simm.s32 $0xE900  }
0x70: {  	[tilespmem:s11], [sflag:$0x4] =	stream.indirect_vreg.gather [hbm4b:s5+s3], $0x80, v3, vm0, $0xb8;
	[tilespmem:$0x18100] =	vst v63  }
0x71: {  	s4 =	simm.s32 $0xF100  }
0x72: {  	[tilespmem:s4], [sflag:$0x4] =	stream.indirect_vreg.gather [hbm4b:s6+s3], $0x80, v3, vm0, $0xb8;
	[tilespmem:$0x18100] =	vst v63  }
0x73: {  	s11 =	simm.s32 $0xF900  }
0x74: {  	[tilespmem:s11], [sflag:$0x4] =	stream.indirect_vreg.gather [hbm4b:s7+s3], $0x80, v3, vm0, $0xb8;
	[tilespmem:$0x18100] =	vst v63  }
0x75: {  	v3 =	vld [tilespmem:$0x40];
	_ =	sdelay $0x4  }
0x76: {  	v52 =	vshll.u32 v3, $0x3  }
0x77: {  	v3 =	vand.u32 $0x7, v3;
	v4 =	vand.u32 $0xFFFFFFC0, v52  }
0x78: {  	v3 =	vor.u32 v3, v4  }
0x79: {  	v4 =	vperm.xlane v3, v0;
	_ =	sdelay $0x1  }
0x7a: {  	v4 =	vadd.s32 v1, v4;
	_ =	sdelay $0x4  }
0x7b: {  	[tilespmem:s10], [sflag:$0x5] =	stream.indirect_vreg.gather [hbm4b:s1+s3], $0x80, v4, vm0, $0xb8;
	[tilespmem:$0x18100] =	vst v63  }
0x7c: {  	v3 =	vperm.xlane v3, v2  }
0x7d: {  	[tilespmem:s21], [sflag:$0x5] =	stream.indirect_vreg.gather [hbm4b:s5+s3], $0x80, v4, vm0, $0xb8;
	[tilespmem:$0x18100] =	vst v63  }
0x7e: {  	v3 =	vadd.s32 v1, v3  }
0x7f: {  	[tilespmem:s16], [sflag:$0x5] =	stream.indirect_vreg.gather [hbm4b:s6+s3], $0x80, v4, vm0, $0xb8;
	[tilespmem:$0x18100] =	vst v63  }
0x80: {  	s4 =	simm.s32 $0x11900  }
0x81: {  	[tilespmem:s4], [sflag:$0x5] =	stream.indirect_vreg.gather [hbm4b:s7+s3], $0x80, v4, vm0, $0xb8;
	[tilespmem:$0x18100] =	vst v63  }
0x82: {  	_ = 	snop  }
0x83: {  	[tilespmem:s12], [sflag:$0x5] =	stream.indirect_vreg.gather [hbm4b:s1+s3], $0x80, v3, vm0, $0xb8;
	[tilespmem:$0x18100] =	vst v63  }
0x84: {  	_ = 	snop  }
0x85: {  	[tilespmem:s13], [sflag:$0x5] =	stream.indirect_vreg.gather [hbm4b:s5+s3], $0x80, v3, vm0, $0xb8;
	[tilespmem:$0x18100] =	vst v63  }
0x86: {  	_ = 	snop  }
0x87: {  	[tilespmem:s14], [sflag:$0x5] =	stream.indirect_vreg.gather [hbm4b:s6+s3], $0x80, v3, vm0, $0xb8;
	[tilespmem:$0x18100] =	vst v63  }
0x88: {  	_ = 	snop  }
0x89: {  	[tilespmem:s15], [sflag:$0x5] =	stream.indirect_vreg.gather [hbm4b:s7+s3], $0x80, v3, vm0, $0xb8;
	[tilespmem:$0x18100] =	vst v63  }
0x8a: {  	_ =	swait.ge [sflag:s19], $0x4000  }
0x8b: {  	[sflag:s19] =	ssyncset.done $0x0  }
0x8c: {  	s0 =	rddreg [dreg:$0x14];
	[sflag:s19] =	ssyncadd.s32 $0xFFFFC000  }
0x8d: {  	[hbm4b:s0+s3] =	stream.linear.scatter [tilespmem:s18], [sflag:$0x7], $0x4000, $0x38;
	[tilespmem:$0x18100] =	vst v63  }
0x8e: {  	v3 =	vld [tilespmem:$0x50];
	_ =	sdelay $0x4  }
0x8f: {  	v53 =	vshll.u32 v3, $0x3  }
0x90: {  	v3 =	vand.u32 $0x7, v3;
	v4 =	vand.u32 $0xFFFFFFC0, v53  }
0x91: {  	v3 =	vor.u32 v3, v4  }
0x92: {  	v4 =	vperm.xlane v3, v0;
	_ =	sdelay $0x1  }
0x93: {  	v4 =	vadd.s32 v1, v4;
	_ =	sdelay $0x4  }
0x94: {  	[tilespmem:s17], [sflag:$0x6] =	stream.indirect_vreg.gather [hbm4b:s1+s3], $0x80, v4, vm0, $0xb8;
	[tilespmem:$0x18100] =	vst v63  }
0x95: {  	s11 =	simm.s32 $0x14900;
	v3 =	vperm.xlane v3, v2  }
0x96: {  	[tilespmem:s11], [sflag:$0x6] =	stream.indirect_vreg.gather [hbm4b:s5+s3], $0x80, v4, vm0, $0xb8;
	[tilespmem:$0x18100] =	vst v63  }
0x97: {  	v3 =	vadd.s32 v1, v3;
	s11 =	simm.s32 $0x15100  }
0x98: {  	[tilespmem:s11], [sflag:$0x6] =	stream.indirect_vreg.gather [hbm4b:s6+s3], $0x80, v4, vm0, $0xb8;
	[tilespmem:$0x18100] =	vst v63  }
0x99: {  	s11 =	simm.s32 $0x15900  }
0x9a: {  	[tilespmem:s11], [sflag:$0x6] =	stream.indirect_vreg.gather [hbm4b:s7+s3], $0x80, v4, vm0, $0xb8;
	[tilespmem:$0x18100] =	vst v63  }
0x9b: {  	s11 =	simm.s32 $0x16100  }
0x9c: {  	[tilespmem:s11], [sflag:$0x6] =	stream.indirect_vreg.gather [hbm4b:s1+s3], $0x80, v3, vm0, $0xb8;
	[tilespmem:$0x18100] =	vst v63  }
0x9d: {  	s11 =	simm.s32 $0x16900  }
0x9e: {  	[tilespmem:s11], [sflag:$0x6] =	stream.indirect_vreg.gather [hbm4b:s5+s3], $0x80, v3, vm0, $0xb8;
	[tilespmem:$0x18100] =	vst v63  }
0x9f: {  	s11 =	simm.s32 $0x17100  }
0xa0: {  	[tilespmem:s11], [sflag:$0x6] =	stream.indirect_vreg.gather [hbm4b:s6+s3], $0x80, v3, vm0, $0xb8;
	[tilespmem:$0x18100] =	vst v63  }
0xa1: {  	s11 =	simm.s32 $0x17900  }
0xa2: {  	[tilespmem:s11], [sflag:$0x6] =	stream.indirect_vreg.gather [hbm4b:s7+s3], $0x80, v3, vm0, $0xb8;
	[tilespmem:$0x18100] =	vst v63  }
0xa3: {  	_ =	swait.ge [sflag:s22], $0x4000  }
0xa4: {  	[sflag:s22] =	ssyncset.done $0x0  }
0xa5: {  	s0 =	rddreg [dreg:$0x5];
	[sflag:s22] =	ssyncadd.s32 $0xFFFFC000  }
0xa6: {  	[hbm4b:s0+s3] =	stream.linear.scatter [tilespmem:s26], [sflag:$0x8], $0x4000, $0x38;
	[tilespmem:$0x18100] =	vst v63  }
0xa7: {  	_ =	swait.ge [sflag:s23], $0x4000  }
0xa8: {  	[sflag:s23] =	ssyncset.done $0x0  }
0xa9: {  	[sflag:s23] =	ssyncadd.s32 $0xFFFFC000  }
0xaa: {  	v3 =	vld [tilespmem:$0x60];
	_ =	sdelay $0x4  }
0xab: {  	v54 =	vshll.u32 v3, $0x3  }
0xac: {  	v3 =	vand.u32 $0x7, v3;
	v4 =	vand.u32 $0xFFFFFFC0, v54  }
0xad: {  	v3 =	vor.u32 v3, v4  }
0xae: {  	v4 =	vperm.xlane v3, v0;
	_ =	sdelay $0x1  }
0xaf: {  	v4 =	vadd.s32 v1, v4;
	_ =	sdelay $0x4  }
0xb0: {  	[tilespmem:s18], [sflag:$0x1] =	stream.indirect_vreg.gather [hbm4b:s1+s3], $0x80, v4, vm0, $0xb8;
	[tilespmem:$0x18100] =	vst v63  }
0xb1: {  	s2 =	simm.s32 $0x900;
	v3 =	vperm.xlane v3, v2  }
0xb2: {  	[tilespmem:s2], [sflag:$0x1] =	stream.indirect_vreg.gather [hbm4b:s5+s3], $0x80, v4, vm0, $0xb8;
	[tilespmem:$0x18100] =	vst v63  }
0xb3: {  	s11 =	simm.s32 $0x1100;
	v3 =	vadd.s32 v1, v3  }
0xb4: {  	[tilespmem:s11], [sflag:$0x1] =	stream.indirect_vreg.gather [hbm4b:s6+s3], $0x80, v4, vm0, $0xb8;
	[tilespmem:$0x18100] =	vst v63  }
0xb5: {  	s2 =	simm.s32 $0x1900  }
0xb6: {  	[tilespmem:s2], [sflag:$0x1] =	stream.indirect_vreg.gather [hbm4b:s7+s3], $0x80, v4, vm0, $0xb8;
	[tilespmem:$0x18100] =	vst v63  }
0xb7: {  	s11 =	simm.s32 $0x2100  }
0xb8: {  	[tilespmem:s11], [sflag:$0x1] =	stream.indirect_vreg.gather [hbm4b:s1+s3], $0x80, v3, vm0, $0xb8;
	[tilespmem:$0x18100] =	vst v63  }
0xb9: {  	s2 =	simm.s32 $0x2900  }
0xba: {  	[tilespmem:s2], [sflag:$0x1] =	stream.indirect_vreg.gather [hbm4b:s5+s3], $0x80, v3, vm0, $0xb8;
	[tilespmem:$0x18100] =	vst v63  }
0xbb: {  	s11 =	simm.s32 $0x3100  }
0xbc: {  	[tilespmem:s11], [sflag:$0x1] =	stream.indirect_vreg.gather [hbm4b:s6+s3], $0x80, v3, vm0, $0xb8;
	[tilespmem:$0x18100] =	vst v63  }
0xbd: {  	s20 =	simm.s32 $0x3900  }
0xbe: {  	[tilespmem:s20], [sflag:$0x1] =	stream.indirect_vreg.gather [hbm4b:s7+s3], $0x80, v3, vm0, $0xb8;
	[tilespmem:$0x18100] =	vst v63  }
0xbf: {  	_ =	swait.ge [sflag:s24], $0x4000  }
0xc0: {  	[sflag:s24] =	ssyncset.done $0x0  }
0xc1: {  	s2 =	rddreg [dreg:$0x6];
	[sflag:s24] =	ssyncadd.s32 $0xFFFFC000  }
0xc2: {  	[hbm4b:s2+s3] =	stream.linear.scatter [tilespmem:s30], [sflag:$0x9], $0x4000, $0x38;
	[tilespmem:$0x18100] =	vst v63  }
0xc3: {  	_ =	swait.ge [sflag:s25], $0x4000  }
0xc4: {  	[sflag:s25] =	ssyncset.done $0x0  }
0xc5: {  	[sflag:s25] =	ssyncadd.s32 $0xFFFFC000  }
0xc6: {  	v3 =	vld [tilespmem:$0x70];
	_ =	sdelay $0x4  }
0xc7: {  	v55 =	vshll.u32 v3, $0x3  }
0xc8: {  	v3 =	vand.u32 $0x7, v3;
	v4 =	vand.u32 $0xFFFFFFC0, v55  }
0xc9: {  	v3 =	vor.u32 v3, v4  }
0xca: {  	v4 =	vperm.xlane v3, v0;
	_ =	sdelay $0x1  }
0xcb: {  	v4 =	vadd.s32 v1, v4;
	_ =	sdelay $0x4  }
0xcc: {  	[tilespmem:s26], [sflag:$0x2] =	stream.indirect_vreg.gather [hbm4b:s1+s3], $0x80, v4, vm0, $0xb8;
	[tilespmem:$0x18100] =	vst v63  }
0xcd: {  	s20 =	simm.s32 $0x4900;
	v3 =	vperm.xlane v3, v2  }
0xce: {  	[tilespmem:s20], [sflag:$0x2] =	stream.indirect_vreg.gather [hbm4b:s5+s3], $0x80, v4, vm0, $0xb8;
	[tilespmem:$0x18100] =	vst v63  }
0xcf: {  	s2 =	simm.s32 $0x5100;
	v3 =	vadd.s32 v1, v3  }
0xd0: {  	[tilespmem:s2], [sflag:$0x2] =	stream.indirect_vreg.gather [hbm4b:s6+s3], $0x80, v4, vm0, $0xb8;
	[tilespmem:$0x18100] =	vst v63  }
0xd1: {  	s11 =	simm.s32 $0x5900  }
0xd2: {  	[tilespmem:s11], [sflag:$0x2] =	stream.indirect_vreg.gather [hbm4b:s7+s3], $0x80, v4, vm0, $0xb8;
	[tilespmem:$0x18100] =	vst v63  }
0xd3: {  	s20 =	simm.s32 $0x6100  }
0xd4: {  	[tilespmem:s20], [sflag:$0x2] =	stream.indirect_vreg.gather [hbm4b:s1+s3], $0x80, v3, vm0, $0xb8;
	[tilespmem:$0x18100] =	vst v63  }
0xd5: {  	s2 =	simm.s32 $0x6900  }
0xd6: {  	[tilespmem:s2], [sflag:$0x2] =	stream.indirect_vreg.gather [hbm4b:s5+s3], $0x80, v3, vm0, $0xb8;
	[tilespmem:$0x18100] =	vst v63  }
0xd7: {  	s11 =	simm.s32 $0x7100  }
0xd8: {  	[tilespmem:s11], [sflag:$0x2] =	stream.indirect_vreg.gather [hbm4b:s6+s3], $0x80, v3, vm0, $0xb8;
	[tilespmem:$0x18100] =	vst v63  }
0xd9: {  	s20 =	simm.s32 $0x7900  }
0xda: {  	[tilespmem:s20], [sflag:$0x2] =	stream.indirect_vreg.gather [hbm4b:s7+s3], $0x80, v3, vm0, $0xb8;
	[tilespmem:$0x18100] =	vst v63  }
0xdb: {  	_ =	swait.ge [sflag:s28], $0x4000  }
0xdc: {  	[sflag:s28] =	ssyncset.done $0x0  }
0xdd: {  	s2 =	rddreg [dreg:$0x7];
	[sflag:s28] =	ssyncadd.s32 $0xFFFFC000  }
0xde: {  	[hbm4b:s2+s3] =	stream.linear.scatter [tilespmem:s9], [sflag:$0xA], $0x4000, $0x38;
	[tilespmem:$0x18100] =	vst v63  }
0xdf: {  	_ =	swait.ge [sflag:s29], $0x4000  }
0xe0: {  	[sflag:s29] =	ssyncset.done $0x0  }
0xe1: {  	[sflag:s29] =	ssyncadd.s32 $0xFFFFC000  }
0xe2: {  	v3 =	vld [tilespmem:$0x80];
	_ =	sdelay $0x4  }
0xe3: {  	v56 =	vshll.u32 v3, $0x3  }
0xe4: {  	v3 =	vand.u32 $0x7, v3;
	v4 =	vand.u32 $0xFFFFFFC0, v56  }
0xe5: {  	v3 =	vor.u32 v3, v4  }
0xe6: {  	v4 =	vperm.xlane v3, v0;
	_ =	sdelay $0x1  }
0xe7: {  	v4 =	vadd.s32 v1, v4;
	_ =	sdelay $0x4  }
0xe8: {  	[tilespmem:s30], [sflag:$0x3] =	stream.indirect_vreg.gather [hbm4b:s1+s3], $0x80, v4, vm0, $0xb8;
	[tilespmem:$0x18100] =	vst v63  }
0xe9: {  	s20 =	simm.s32 $0x8900;
	v3 =	vperm.xlane v3, v2  }
0xea: {  	[tilespmem:s20], [sflag:$0x3] =	stream.indirect_vreg.gather [hbm4b:s5+s3], $0x80, v4, vm0, $0xb8;
	[tilespmem:$0x18100] =	vst v63  }
0xeb: {  	s2 =	simm.s32 $0x9100;
	v3 =	vadd.s32 v1, v3  }
0xec: {  	[tilespmem:s2], [sflag:$0x3] =	stream.indirect_vreg.gather [hbm4b:s6+s3], $0x80, v4, vm0, $0xb8;
	[tilespmem:$0x18100] =	vst v63  }
0xed: {  	s11 =	simm.s32 $0x9900  }
0xee: {  	[tilespmem:s11], [sflag:$0x3] =	stream.indirect_vreg.gather [hbm4b:s7+s3], $0x80, v4, vm0, $0xb8;
	[tilespmem:$0x18100] =	vst v63  }
0xef: {  	s20 =	simm.s32 $0xA100  }
0xf0: {  	[tilespmem:s20], [sflag:$0x3] =	stream.indirect_vreg.gather [hbm4b:s1+s3], $0x80, v3, vm0, $0xb8;
	[tilespmem:$0x18100] =	vst v63  }
0xf1: {  	s2 =	simm.s32 $0xA900  }
0xf2: {  	[tilespmem:s2], [sflag:$0x3] =	stream.indirect_vreg.gather [hbm4b:s5+s3], $0x80, v3, vm0, $0xb8;
	[tilespmem:$0x18100] =	vst v63  }
0xf3: {  	s11 =	simm.s32 $0xB100  }
0xf4: {  	[tilespmem:s11], [sflag:$0x3] =	stream.indirect_vreg.gather [hbm4b:s6+s3], $0x80, v3, vm0, $0xb8;
	[tilespmem:$0x18100] =	vst v63  }
0xf5: {  	s0 =	simm.s32 $0x5;
	s20 =	simm.s32 $0xB900  }
0xf6: {  	[tilespmem:s20], [sflag:$0x3] =	stream.indirect_vreg.gather [hbm4b:s7+s3], $0x80, v3, vm0, $0xb8;
	[tilespmem:$0x18100] =	vst v63  }
0xf7: {  	_ =	swait.ge [sflag:s0], $0x4000  }
0xf8: {  	[sflag:s0] =	ssyncset.done $0x0  }
0xf9: {  	s2 =	rddreg [dreg:$0x8];
	[sflag:s0] =	ssyncadd.s32 $0xFFFFC000  }
0xfa: {  	[hbm4b:s2+s3] =	stream.linear.scatter [tilespmem:s10], [sflag:$0xB], $0x4000, $0x38;
	[tilespmem:$0x18100] =	vst v63  }
0xfb: {  	_ =	swait.ge [sflag:s31], $0x4000  }
0xfc: {  	[sflag:s31] =	ssyncset.done $0x0  }
0xfd: {  	[sflag:s31] =	ssyncadd.s32 $0xFFFFC000  }
0xfe: {  	v3 =	vld [tilespmem:$0x90];
	_ =	sdelay $0x4  }
0xff: {  	v57 =	vshll.u32 v3, $0x3  }
0x100: {  	v3 =	vand.u32 $0x7, v3;
	v4 =	vand.u32 $0xFFFFFFC0, v57  }
0x101: {  	v3 =	vor.u32 v3, v4  }
0x102: {  	v4 =	vperm.xlane v3, v0;
	_ =	sdelay $0x1  }
0x103: {  	v4 =	vadd.s32 v1, v4;
	_ =	sdelay $0x4  }
0x104: {  	[tilespmem:s9], [sflag:$0x4] =	stream.indirect_vreg.gather [hbm4b:s1+s3], $0x80, v4, vm0, $0xb8;
	[tilespmem:$0x18100] =	vst v63  }
0x105: {  	s11 =	simm.s32 $0xC900;
	v3 =	vperm.xlane v3, v2  }
0x106: {  	[tilespmem:s11], [sflag:$0x4] =	stream.indirect_vreg.gather [hbm4b:s5+s3], $0x80, v4, vm0, $0xb8;
	[tilespmem:$0x18100] =	vst v63  }
0x107: {  	s20 =	simm.s32 $0xD100;
	v3 =	vadd.s32 v1, v3  }
0x108: {  	[tilespmem:s20], [sflag:$0x4] =	stream.indirect_vreg.gather [hbm4b:s6+s3], $0x80, v4, vm0, $0xb8;
	[tilespmem:$0x18100] =	vst v63  }
0x109: {  	s11 =	simm.s32 $0xD900  }
0x10a: {  	[tilespmem:s11], [sflag:$0x4] =	stream.indirect_vreg.gather [hbm4b:s7+s3], $0x80, v4, vm0, $0xb8;
	[tilespmem:$0x18100] =	vst v63  }
0x10b: {  	s20 =	simm.s32 $0xE100  }
0x10c: {  	[tilespmem:s20], [sflag:$0x4] =	stream.indirect_vreg.gather [hbm4b:s1+s3], $0x80, v3, vm0, $0xb8;
	[tilespmem:$0x18100] =	vst v63  }
0x10d: {  	s11 =	simm.s32 $0xE900  }
0x10e: {  	[tilespmem:s11], [sflag:$0x4] =	stream.indirect_vreg.gather [hbm4b:s5+s3], $0x80, v3, vm0, $0xb8;
	[tilespmem:$0x18100] =	vst v63  }
0x10f: {  	s20 =	simm.s32 $0xF100  }
0x110: {  	[tilespmem:s20], [sflag:$0x4] =	stream.indirect_vreg.gather [hbm4b:s6+s3], $0x80, v3, vm0, $0xb8;
	[tilespmem:$0x18100] =	vst v63  }
0x111: {  	s2 =	simm.s32 $0x6;
	s11 =	simm.s32 $0xF900  }
0x112: {  	[tilespmem:s11], [sflag:$0x4] =	stream.indirect_vreg.gather [hbm4b:s7+s3], $0x80, v3, vm0, $0xb8;
	[tilespmem:$0x18100] =	vst v63  }
0x113: {  	_ =	swait.ge [sflag:s2], $0x4000  }
0x114: {  	[sflag:s2] =	ssyncset.done $0x0  }
0x115: {  	s20 =	rddreg [dreg:$0x9];
	[sflag:s2] =	ssyncadd.s32 $0xFFFFC000  }
0x116: {  	[hbm4b:s20+s3] =	stream.linear.scatter [tilespmem:s17], [sflag:$0xC], $0x4000, $0x38;
	[tilespmem:$0x18100] =	vst v63  }
0x117: {  	s20 =	simm.s32 $0xB  }
0x118: {  	_ =	swait.ge [sflag:s20], $0x4000  }
0x119: {  	[sflag:s20] =	ssyncset.done $0x0  }
0x11a: {  	[sflag:s20] =	ssyncadd.s32 $0xFFFFC000  }
0x11b: {  	v3 =	vld [tilespmem:$0xA0];
	_ =	sdelay $0x4  }
0x11c: {  	v58 =	vshll.u32 v3, $0x3  }
0x11d: {  	v3 =	vand.u32 $0x7, v3;
	v4 =	vand.u32 $0xFFFFFFC0, v58  }
0x11e: {  	v3 =	vor.u32 v3, v4  }
0x11f: {  	v4 =	vperm.xlane v3, v0;
	_ =	sdelay $0x1  }
0x120: {  	v4 =	vadd.s32 v1, v4;
	_ =	sdelay $0x4  }
0x121: {  	[tilespmem:s10], [sflag:$0x5] =	stream.indirect_vreg.gather [hbm4b:s1+s3], $0x80, v4, vm0, $0xb8;
	[tilespmem:$0x18100] =	vst v63  }
0x122: {  	v3 =	vperm.xlane v3, v2  }
0x123: {  	[tilespmem:s21], [sflag:$0x5] =	stream.indirect_vreg.gather [hbm4b:s5+s3], $0x80, v4, vm0, $0xb8;
	[tilespmem:$0x18100] =	vst v63  }
0x124: {  	v3 =	vadd.s32 v1, v3  }
0x125: {  	[tilespmem:s16], [sflag:$0x5] =	stream.indirect_vreg.gather [hbm4b:s6+s3], $0x80, v4, vm0, $0xb8;
	[tilespmem:$0x18100] =	vst v63  }
0x126: {  	_ = 	snop  }
0x127: {  	[tilespmem:s4], [sflag:$0x5] =	stream.indirect_vreg.gather [hbm4b:s7+s3], $0x80, v4, vm0, $0xb8;
	[tilespmem:$0x18100] =	vst v63  }
0x128: {  	_ = 	snop  }
0x129: {  	[tilespmem:s12], [sflag:$0x5] =	stream.indirect_vreg.gather [hbm4b:s1+s3], $0x80, v3, vm0, $0xb8;
	[tilespmem:$0x18100] =	vst v63  }
0x12a: {  	_ = 	snop  }
0x12b: {  	[tilespmem:s13], [sflag:$0x5] =	stream.indirect_vreg.gather [hbm4b:s5+s3], $0x80, v3, vm0, $0xb8;
	[tilespmem:$0x18100] =	vst v63  }
0x12c: {  	_ = 	snop  }
0x12d: {  	[tilespmem:s14], [sflag:$0x5] =	stream.indirect_vreg.gather [hbm4b:s6+s3], $0x80, v3, vm0, $0xb8;
	[tilespmem:$0x18100] =	vst v63  }
0x12e: {  	_ = 	snop  }
0x12f: {  	[tilespmem:s15], [sflag:$0x5] =	stream.indirect_vreg.gather [hbm4b:s7+s3], $0x80, v3, vm0, $0xb8;
	[tilespmem:$0x18100] =	vst v63  }
0x130: {  	_ =	swait.ge [sflag:s19], $0x4000  }
0x131: {  	[sflag:s19] =	ssyncset.done $0x0  }
0x132: {  	s4 =	rddreg [dreg:$0xa];
	[sflag:s19] =	ssyncadd.s32 $0xFFFFC000  }
0x133: {  	[hbm4b:s4+s3] =	stream.linear.scatter [tilespmem:s18], [sflag:$0x7], $0x4000, $0x38;
	[tilespmem:$0x18100] =	vst v63  }
0x134: {  	s4 =	simm.s32 $0xC  }
0x135: {  	_ =	swait.ge [sflag:s4], $0x4000  }
0x136: {  	[sflag:s4] =	ssyncset.done $0x0  }
0x137: {  	[sflag:s4] =	ssyncadd.s32 $0xFFFFC000  }
0x138: {  	v3 =	vld [tilespmem:$0xB0];
	_ =	sdelay $0x4  }
0x139: {  	v59 =	vshll.u32 v3, $0x3  }
0x13a: {  	v3 =	vand.u32 $0x7, v3;
	v4 =	vand.u32 $0xFFFFFFC0, v59  }
0x13b: {  	v3 =	vor.u32 v3, v4  }
0x13c: {  	v4 =	vperm.xlane v3, v0;
	_ =	sdelay $0x1  }
0x13d: {  	v4 =	vadd.s32 v1, v4;
	_ =	sdelay $0x4  }
0x13e: {  	[tilespmem:s17], [sflag:$0x6] =	stream.indirect_vreg.gather [hbm4b:s1+s3], $0x80, v4, vm0, $0xb8;
	[tilespmem:$0x18100] =	vst v63  }
0x13f: {  	s11 =	simm.s32 $0x14900;
	v3 =	vperm.xlane v3, v2  }
0x140: {  	[tilespmem:s11], [sflag:$0x6] =	stream.indirect_vreg.gather [hbm4b:s5+s3], $0x80, v4, vm0, $0xb8;
	[tilespmem:$0x18100] =	vst v63  }
0x141: {  	v3 =	vadd.s32 v1, v3;
	s11 =	simm.s32 $0x15100  }
0x142: {  	[tilespmem:s11], [sflag:$0x6] =	stream.indirect_vreg.gather [hbm4b:s6+s3], $0x80, v4, vm0, $0xb8;
	[tilespmem:$0x18100] =	vst v63  }
0x143: {  	s11 =	simm.s32 $0x15900  }
0x144: {  	[tilespmem:s11], [sflag:$0x6] =	stream.indirect_vreg.gather [hbm4b:s7+s3], $0x80, v4, vm0, $0xb8;
	[tilespmem:$0x18100] =	vst v63  }
0x145: {  	s11 =	simm.s32 $0x16100  }
0x146: {  	[tilespmem:s11], [sflag:$0x6] =	stream.indirect_vreg.gather [hbm4b:s1+s3], $0x80, v3, vm0, $0xb8;
	[tilespmem:$0x18100] =	vst v63  }
0x147: {  	s11 =	simm.s32 $0x16900  }
0x148: {  	[tilespmem:s11], [sflag:$0x6] =	stream.indirect_vreg.gather [hbm4b:s5+s3], $0x80, v3, vm0, $0xb8;
	[tilespmem:$0x18100] =	vst v63  }
0x149: {  	s11 =	simm.s32 $0x17100  }
0x14a: {  	[tilespmem:s11], [sflag:$0x6] =	stream.indirect_vreg.gather [hbm4b:s6+s3], $0x80, v3, vm0, $0xb8;
	[tilespmem:$0x18100] =	vst v63  }
0x14b: {  	s11 =	simm.s32 $0x17900  }
0x14c: {  	[tilespmem:s11], [sflag:$0x6] =	stream.indirect_vreg.gather [hbm4b:s7+s3], $0x80, v3, vm0, $0xb8;
	[tilespmem:$0x18100] =	vst v63  }
0x14d: {  	_ =	swait.ge [sflag:s22], $0x4000  }
0x14e: {  	[sflag:s22] =	ssyncset.done $0x0  }
0x14f: {  	s11 =	rddreg [dreg:$0xb];
	[sflag:s22] =	ssyncadd.s32 $0xFFFFC000  }
0x150: {  	[hbm4b:s11+s3] =	stream.linear.scatter [tilespmem:s26], [sflag:$0x8], $0x4000, $0x38;
	[tilespmem:$0x18100] =	vst v63  }
0x151: {  	_ =	swait.ge [sflag:s23], $0x4000  }
0x152: {  	[sflag:s23] =	ssyncset.done $0x0  }
0x153: {  	[sflag:s23] =	ssyncadd.s32 $0xFFFFC000  }
0x154: {  	v3 =	vld [tilespmem:$0xC0];
	_ =	sdelay $0x4  }
0x155: {  	v60 =	vshll.u32 v3, $0x3  }
0x156: {  	v3 =	vand.u32 $0x7, v3;
	v4 =	vand.u32 $0xFFFFFFC0, v60  }
0x157: {  	v3 =	vor.u32 v3, v4  }
0x158: {  	v4 =	vperm.xlane v3, v0;
	_ =	sdelay $0x1  }
0x159: {  	v4 =	vadd.s32 v1, v4;
	_ =	sdelay $0x4  }
0x15a: {  	[tilespmem:s18], [sflag:$0x1] =	stream.indirect_vreg.gather [hbm4b:s1+s3], $0x80, v4, vm0, $0xb8;
	[tilespmem:$0x18100] =	vst v63  }
0x15b: {  	s11 =	simm.s32 $0x900;
	v3 =	vperm.xlane v3, v2  }
0x15c: {  	[tilespmem:s11], [sflag:$0x1] =	stream.indirect_vreg.gather [hbm4b:s5+s3], $0x80, v4, vm0, $0xb8;
	[tilespmem:$0x18100] =	vst v63  }
0x15d: {  	v3 =	vadd.s32 v1, v3;
	s11 =	simm.s32 $0x1100  }
0x15e: {  	[tilespmem:s11], [sflag:$0x1] =	stream.indirect_vreg.gather [hbm4b:s6+s3], $0x80, v4, vm0, $0xb8;
	[tilespmem:$0x18100] =	vst v63  }
0x15f: {  	s11 =	simm.s32 $0x1900  }
0x160: {  	[tilespmem:s11], [sflag:$0x1] =	stream.indirect_vreg.gather [hbm4b:s7+s3], $0x80, v4, vm0, $0xb8;
	[tilespmem:$0x18100] =	vst v63  }
0x161: {  	s11 =	simm.s32 $0x2100  }
0x162: {  	[tilespmem:s11], [sflag:$0x1] =	stream.indirect_vreg.gather [hbm4b:s1+s3], $0x80, v3, vm0, $0xb8;
	[tilespmem:$0x18100] =	vst v63  }
0x163: {  	s11 =	simm.s32 $0x2900  }
0x164: {  	[tilespmem:s11], [sflag:$0x1] =	stream.indirect_vreg.gather [hbm4b:s5+s3], $0x80, v3, vm0, $0xb8;
	[tilespmem:$0x18100] =	vst v63  }
0x165: {  	s11 =	simm.s32 $0x3100  }
0x166: {  	[tilespmem:s11], [sflag:$0x1] =	stream.indirect_vreg.gather [hbm4b:s6+s3], $0x80, v3, vm0, $0xb8;
	[tilespmem:$0x18100] =	vst v63  }
0x167: {  	s11 =	simm.s32 $0x3900  }
0x168: {  	[tilespmem:s11], [sflag:$0x1] =	stream.indirect_vreg.gather [hbm4b:s7+s3], $0x80, v3, vm0, $0xb8;
	[tilespmem:$0x18100] =	vst v63  }
0x169: {  	_ =	swait.ge [sflag:s24], $0x4000  }
0x16a: {  	[sflag:s24] =	ssyncset.done $0x0  }
0x16b: {  	s11 =	rddreg [dreg:$0xc];
	[sflag:s24] =	ssyncadd.s32 $0xFFFFC000  }
0x16c: {  	[hbm4b:s11+s3] =	stream.linear.scatter [tilespmem:s30], [sflag:$0x9], $0x4000, $0x38;
	[tilespmem:$0x18100] =	vst v63  }
0x16d: {  	_ =	swait.ge [sflag:s25], $0x4000  }
0x16e: {  	[sflag:s25] =	ssyncset.done $0x0  }
0x16f: {  	[sflag:s25] =	ssyncadd.s32 $0xFFFFC000  }
0x170: {  	v3 =	vld [tilespmem:$0xD0];
	_ =	sdelay $0x4  }
0x171: {  	v61 =	vshll.u32 v3, $0x3  }
0x172: {  	v3 =	vand.u32 $0x7, v3;
	v4 =	vand.u32 $0xFFFFFFC0, v61  }
0x173: {  	v3 =	vor.u32 v3, v4  }
0x174: {  	v4 =	vperm.xlane v3, v0;
	_ =	sdelay $0x1  }
0x175: {  	v4 =	vadd.s32 v1, v4;
	_ =	sdelay $0x4  }
0x176: {  	[tilespmem:s26], [sflag:$0x2] =	stream.indirect_vreg.gather [hbm4b:s1+s3], $0x80, v4, vm0, $0xb8;
	[tilespmem:$0x18100] =	vst v63  }
0x177: {  	s11 =	simm.s32 $0x4900;
	v3 =	vperm.xlane v3, v2  }
0x178: {  	[tilespmem:s11], [sflag:$0x2] =	stream.indirect_vreg.gather [hbm4b:s5+s3], $0x80, v4, vm0, $0xb8;
	[tilespmem:$0x18100] =	vst v63  }
0x179: {  	v3 =	vadd.s32 v1, v3;
	s11 =	simm.s32 $0x5100  }
0x17a: {  	[tilespmem:s11], [sflag:$0x2] =	stream.indirect_vreg.gather [hbm4b:s6+s3], $0x80, v4, vm0, $0xb8;
	[tilespmem:$0x18100] =	vst v63  }
0x17b: {  	s11 =	simm.s32 $0x5900  }
0x17c: {  	[tilespmem:s11], [sflag:$0x2] =	stream.indirect_vreg.gather [hbm4b:s7+s3], $0x80, v4, vm0, $0xb8;
	[tilespmem:$0x18100] =	vst v63  }
0x17d: {  	s11 =	simm.s32 $0x6100  }
0x17e: {  	[tilespmem:s11], [sflag:$0x2] =	stream.indirect_vreg.gather [hbm4b:s1+s3], $0x80, v3, vm0, $0xb8;
	[tilespmem:$0x18100] =	vst v63  }
0x17f: {  	s11 =	simm.s32 $0x6900  }
0x180: {  	[tilespmem:s11], [sflag:$0x2] =	stream.indirect_vreg.gather [hbm4b:s5+s3], $0x80, v3, vm0, $0xb8;
	[tilespmem:$0x18100] =	vst v63  }
0x181: {  	s11 =	simm.s32 $0x7100  }
0x182: {  	[tilespmem:s11], [sflag:$0x2] =	stream.indirect_vreg.gather [hbm4b:s6+s3], $0x80, v3, vm0, $0xb8;
	[tilespmem:$0x18100] =	vst v63  }
0x183: {  	s11 =	simm.s32 $0x7900  }
0x184: {  	[tilespmem:s11], [sflag:$0x2] =	stream.indirect_vreg.gather [hbm4b:s7+s3], $0x80, v3, vm0, $0xb8;
	[tilespmem:$0x18100] =	vst v63  }
0x185: {  	_ =	swait.ge [sflag:s28], $0x4000  }
0x186: {  	[sflag:s28] =	ssyncset.done $0x0  }
0x187: {  	s11 =	rddreg [dreg:$0xd];
	[sflag:s28] =	ssyncadd.s32 $0xFFFFC000  }
0x188: {  	[hbm4b:s11+s3] =	stream.linear.scatter [tilespmem:s9], [sflag:$0xA], $0x4000, $0x38;
	[tilespmem:$0x18100] =	vst v63  }
0x189: {  	_ =	swait.ge [sflag:s29], $0x4000  }
0x18a: {  	[sflag:s29] =	ssyncset.done $0x0  }
0x18b: {  	[sflag:s29] =	ssyncadd.s32 $0xFFFFC000  }
0x18c: {  	v3 =	vld [tilespmem:$0xE0];
	_ =	sdelay $0x4  }
0x18d: {  	v62 =	vshll.u32 v3, $0x3  }
0x18e: {  	v3 =	vand.u32 $0x7, v3;
	v4 =	vand.u32 $0xFFFFFFC0, v62  }
0x18f: {  	v3 =	vor.u32 v3, v4  }
0x190: {  	v4 =	vperm.xlane v3, v0;
	_ =	sdelay $0x1  }
0x191: {  	v4 =	vadd.s32 v1, v4;
	_ =	sdelay $0x4  }
0x192: {  	[tilespmem:s30], [sflag:$0x3] =	stream.indirect_vreg.gather [hbm4b:s1+s3], $0x80, v4, vm0, $0xb8;
	[tilespmem:$0x18100] =	vst v63  }
0x193: {  	s11 =	simm.s32 $0x8900;
	v3 =	vperm.xlane v3, v2  }
0x194: {  	[tilespmem:s11], [sflag:$0x3] =	stream.indirect_vreg.gather [hbm4b:s5+s3], $0x80, v4, vm0, $0xb8;
	[tilespmem:$0x18100] =	vst v63  }
0x195: {  	v3 =	vadd.s32 v1, v3;
	s11 =	simm.s32 $0x9100  }
0x196: {  	[tilespmem:s11], [sflag:$0x3] =	stream.indirect_vreg.gather [hbm4b:s6+s3], $0x80, v4, vm0, $0xb8;
	[tilespmem:$0x18100] =	vst v63  }
0x197: {  	s11 =	simm.s32 $0x9900  }
0x198: {  	[tilespmem:s11], [sflag:$0x3] =	stream.indirect_vreg.gather [hbm4b:s7+s3], $0x80, v4, vm0, $0xb8;
	[tilespmem:$0x18100] =	vst v63  }
0x199: {  	s11 =	simm.s32 $0xA100  }
0x19a: {  	[tilespmem:s11], [sflag:$0x3] =	stream.indirect_vreg.gather [hbm4b:s1+s3], $0x80, v3, vm0, $0xb8;
	[tilespmem:$0x18100] =	vst v63  }
0x19b: {  	s11 =	simm.s32 $0xA900  }
0x19c: {  	[tilespmem:s11], [sflag:$0x3] =	stream.indirect_vreg.gather [hbm4b:s5+s3], $0x80, v3, vm0, $0xb8;
	[tilespmem:$0x18100] =	vst v63  }
0x19d: {  	s11 =	simm.s32 $0xB100  }
0x19e: {  	[tilespmem:s11], [sflag:$0x3] =	stream.indirect_vreg.gather [hbm4b:s6+s3], $0x80, v3, vm0, $0xb8;
	[tilespmem:$0x18100] =	vst v63  }
0x19f: {  	s11 =	simm.s32 $0xB900  }
0x1a0: {  	[tilespmem:s11], [sflag:$0x3] =	stream.indirect_vreg.gather [hbm4b:s7+s3], $0x80, v3, vm0, $0xb8;
	[tilespmem:$0x18100] =	vst v63  }
0x1a1: {  	_ =	swait.ge [sflag:s0], $0x4000  }
0x1a2: {  	[sflag:s0] =	ssyncset.done $0x0  }
0x1a3: {  	s11 =	rddreg [dreg:$0xe];
	[sflag:s0] =	ssyncadd.s32 $0xFFFFC000  }
0x1a4: {  	[hbm4b:s11+s3] =	stream.linear.scatter [tilespmem:s10], [sflag:$0xB], $0x4000, $0x38;
	[tilespmem:$0x18100] =	vst v63  }
0x1a5: {  	_ =	swait.ge [sflag:s31], $0x4000  }
0x1a6: {  	[sflag:s31] =	ssyncset.done $0x0  }
0x1a7: {  	[sflag:s31] =	ssyncadd.s32 $0xFFFFC000  }
0x1a8: {  	v3 =	vld [tilespmem:$0xF0];
	_ =	sdelay $0x4  }
0x1a9: {  	v63 =	vshll.u32 v3, $0x3  }
0x1aa: {  	v3 =	vand.u32 $0x7, v3;
	v4 =	vand.u32 $0xFFFFFFC0, v63  }
0x1ab: {  	v3 =	vor.u32 v3, v4  }
0x1ac: {  	v4 =	vperm.xlane v3, v0;
	_ =	sdelay $0x1  }
0x1ad: {  	v4 =	vadd.s32 v1, v4;
	_ =	sdelay $0x4  }
0x1ae: {  	[tilespmem:s9], [sflag:$0x4] =	stream.indirect_vreg.gather [hbm4b:s1+s3], $0x80, v4, vm0, $0xb8;
	[tilespmem:$0x18100] =	vst v63  }
0x1af: {  	s11 =	simm.s32 $0xC900;
	v3 =	vperm.xlane v3, v2  }
0x1b0: {  	[tilespmem:s11], [sflag:$0x4] =	stream.indirect_vreg.gather [hbm4b:s5+s3], $0x80, v4, vm0, $0xb8;
	[tilespmem:$0x18100] =	vst v63  }
0x1b1: {  	v3 =	vadd.s32 v1, v3;
	s11 =	simm.s32 $0xD100  }
0x1b2: {  	[tilespmem:s11], [sflag:$0x4] =	stream.indirect_vreg.gather [hbm4b:s6+s3], $0x80, v4, vm0, $0xb8;
	[tilespmem:$0x18100] =	vst v63  }
0x1b3: {  	s11 =	simm.s32 $0xD900  }
0x1b4: {  	[tilespmem:s11], [sflag:$0x4] =	stream.indirect_vreg.gather [hbm4b:s7+s3], $0x80, v4, vm0, $0xb8;
	[tilespmem:$0x18100] =	vst v63  }
0x1b5: {  	s11 =	simm.s32 $0xE100  }
0x1b6: {  	[tilespmem:s11], [sflag:$0x4] =	stream.indirect_vreg.gather [hbm4b:s1+s3], $0x80, v3, vm0, $0xb8;
	[tilespmem:$0x18100] =	vst v63  }
0x1b7: {  	s11 =	simm.s32 $0xE900  }
0x1b8: {  	[tilespmem:s11], [sflag:$0x4] =	stream.indirect_vreg.gather [hbm4b:s5+s3], $0x80, v3, vm0, $0xb8;
	[tilespmem:$0x18100] =	vst v63  }
0x1b9: {  	s11 =	simm.s32 $0xF100  }
0x1ba: {  	[tilespmem:s11], [sflag:$0x4] =	stream.indirect_vreg.gather [hbm4b:s6+s3], $0x80, v3, vm0, $0xb8;
	[tilespmem:$0x18100] =	vst v63  }
0x1bb: {  	s11 =	simm.s32 $0xF900  }
0x1bc: {  	[tilespmem:s11], [sflag:$0x4] =	stream.indirect_vreg.gather [hbm4b:s7+s3], $0x80, v3, vm0, $0xb8;
	[tilespmem:$0x18100] =	vst v63  }
0x1bd: {  	_ =	swait.ge [sflag:s2], $0x4000  }
0x1be: {  	[sflag:s2] =	ssyncset.done $0x0  }
0x1bf: {  	s0 =	rddreg [dreg:$0xf];
	[sflag:s2] =	ssyncadd.s32 $0xFFFFC000  }
0x1c0: {  	[hbm4b:s0+s3] =	stream.linear.scatter [tilespmem:s17], [sflag:$0xC], $0x4000, $0x38;
	[tilespmem:$0x18100] =	vst v63  }
0x1c1: {  	_ =	swait.ge [sflag:s20], $0x4000  }
0x1c2: {  	[sflag:s20] =	ssyncset.done $0x0  }
0x1c3: {  	[sflag:s20] =	ssyncadd.s32 $0xFFFFC000  }
0x1c4: {  	_ =	swait.ge [sflag:s19], $0x4000  }
0x1c5: {  	[sflag:s19] =	ssyncset.done $0x0  }
0x1c6: {  	s0 =	rddreg [dreg:$0x10];
	[sflag:s19] =	ssyncadd.s32 $0xFFFFC000  }
0x1c7: {  	[hbm4b:s0+s3] =	stream.linear.scatter [tilespmem:s18], [sflag:$0x7], $0x4000, $0x38;
	[tilespmem:$0x18100] =	vst v63  }
0x1c8: {  	_ =	swait.ge [sflag:s4], $0x4000  }
0x1c9: {  	[sflag:s4] =	ssyncset.done $0x0  }
0x1ca: {  	[sflag:s4] =	ssyncadd.s32 $0xFFFFC000  }
0x1cb: {  	_ =	swait.ge [sflag:s22], $0x4000  }
0x1cc: {  	[sflag:s22] =	ssyncset.done $0x0  }
0x1cd: {  	s2 =	rddreg [dreg:$0x11];
	[sflag:s22] =	ssyncadd.s32 $0xFFFFC000  }
0x1ce: {  	[hbm4b:s2+s3] =	stream.linear.scatter [tilespmem:s26], [sflag:$0x8], $0x4000, $0x38;
	[tilespmem:$0x18100] =	vst v63  }
0x1cf: {  	_ =	swait.ge [sflag:s23], $0x4000  }
0x1d0: {  	[sflag:s23] =	ssyncset.done $0x0  }
0x1d1: {  	[sflag:s23] =	ssyncadd.s32 $0xFFFFC000  }
0x1d2: {  	_ =	swait.ge [sflag:s24], $0x4000  }
0x1d3: {  	[sflag:s24] =	ssyncset.done $0x0  }
0x1d4: {  	s4 =	rddreg [dreg:$0x12];
	[sflag:s24] =	ssyncadd.s32 $0xFFFFC000  }
0x1d5: {  	[hbm4b:s4+s3] =	stream.linear.scatter [tilespmem:s30], [sflag:$0x9], $0x4000, $0x38;
	[tilespmem:$0x18100] =	vst v63  }
0x1d6: {  	_ =	swait.ge [sflag:s25], $0x4000  }
0x1d7: {  	[sflag:s25] =	ssyncset.done $0x0  }
0x1d8: {  	[sflag:s25] =	ssyncadd.s32 $0xFFFFC000  }
0x1d9: {  	_ =	swait.ge [sflag:s28], $0x4000  }
0x1da: {  	[sflag:s28] =	ssyncset.done $0x0  }
0x1db: {  	s20 =	rddreg [dreg:$0x13];
	[sflag:s28] =	ssyncadd.s32 $0xFFFFC000  }
0x1dc: {  	[hbm4b:s20+s3] =	stream.linear.scatter [tilespmem:s9], [sflag:$0xA], $0x4000, $0x38;
	[tilespmem:$0x18100] =	vst v63  }
0x1dd: {  	p0 =	sne.s32 s8, $0x1;
	_ =	swait.ge [sflag:s29], $0x4000  }
.Ltmp0:
0x1de: {  	[sflag:s29] =	ssyncset.done $0x0;
	(pc) =	sbr.rel @p0 .LBB2_1-.Ltmp0, $4  }
0x1df: {  	[sflag:s29] =	ssyncadd.s32 $0xFFFFC000  }
0x1e0: {  	_ =	swait.ge [sflag:s31], $0x4000  }
0x1e1: {  	[sflag:s31] =	ssyncset.done $0x0  }
0x1e2: {  	s8 =	sadd.s32 $0xFFFFFFFF, s8;
	[sflag:s31] =	ssyncadd.s32 $0xFFFFC000  }
0x1e3: {  	_ =	sfence.sel $0x180000  }
0x1e4: {  	[bflag:$0x0] =	sbarrier.arrive $0xFFFF  }
0x1e5: {  	_ =	strace $0x90000047  }
0x1e6: {  	s0 =	stileid.u32;
	[bflag:$0x2] =	sbarrier.arrive $0xFFFF  }
0x1e7: {  	p0 =	sne.s32 s0, $0x0;
	s0 =	rddreg [dreg:$0x3]  }
0x1e8: {  	s0 =	sadd.s32 @!p0 $0x100000, s0  }
0x1e9: {  	[sflag:s0] =	ssyncadd.tile.s32 @!p0 $0x1;
	_ =	shalt  }
.Lfunc_end2:
_tile_overlayer_lowered:
.L_overlay_start_2:
0x1ea: {  	(tag) =	ssettag $0x2  }
0x1eb: {  	s0 =	rddreg [dreg:$0x0];
	s2 =	stileid.u32  }
0x1ec: {  	s1 =	rddreg [dreg:$0x1];
	p0 =	sne.s32 s2, $0x0  }
0x1ed: {  	s3 =	rddreg [dreg:$0x2];
	[bflag:$0x3] =	sbarrier.arrive $0xFFFF;
	s2 =	simm.s32 @!p0 $0x1C0D  }
0x1ee: {  	[timem:s3], [sflag:s2] =	dma.local @!p0 [hbm:s0], s1  }
0x1ef: {  	s0 =	simm.s32 @!p0 $0xD  }
0x1f0: {  	_ =	swait.ge @!p0 [sflag:s0], s1  }
0x1f1: {  	s1 =	ssub.s32 @!p0 $0x0, s1;
	[sflag:s0] =	ssyncset.done @!p0 $0x0  }
0x1f2: {  	[sflag:s0] =	ssyncadd.s32 @!p0 s1  }
0x1f3: {  	[bflag:$0x3] =	sbarrier.arrive $0xFFFF  }
0x1f4: {  	_ =	shalt  }

</sc_bundles>
